<compile_context>
chip_gen: v7x
topology: tpu7x:2x2x1
jax: 0.10.2.dev20260603
libtpu: 0.0.44.dev20260713+nightly
codegen_flags: <defaults>
</compile_context>

<pallas_src>
import functools

import jax
import jax.numpy as jnp
from jax import lax
from jax.experimental import pallas as pl
from jax.experimental.pallas import tpu as pltpu
from jax.experimental.pallas import tpu_sc as plsc

D = 128
NI = 4096
NJ = 50
B = NI * NJ
NC = 2
NS = 16
NW = NC * NS
BPW = B // NW
SCH = 128
GCH = 2 * SCH
NG = BPW // GCH

_mesh = plsc.VectorSubcoreMesh(core_axis_name="c", subcore_axis_name="s")


@functools.partial(
    pl.kernel,
    mesh=_mesh,
    out_type=jax.ShapeDtypeStruct((NJ, NI, D), jnp.float32),
    scratch_types=[
        pltpu.VMEM((BPW,), jnp.int32),
        pltpu.VMEM((GCH, D), jnp.float32),
        pltpu.VMEM((GCH, D), jnp.float32),
        pltpu.VMEM((GCH, D), jnp.float32),
        pltpu.SemaphoreType.DMA,
        pltpu.SemaphoreType.DMA,
        pltpu.SemaphoreType.DMA,
        pltpu.SemaphoreType.DMA,
    ],
)
def _gather_kernel(
    xt_hbm, embd_hbm, out_hbm, idx_v, buf0, buf1, buf2, gsem0, gsem1, gsem2, ssem
):
    wid = lax.axis_index("s") * NC + lax.axis_index("c")
    base = pl.multiple_of(wid * BPW, GCH)
    pltpu.sync_copy(xt_hbm.at[pl.ds(base, BPW)], idx_v)

    bufs = (buf0, buf1, buf2)
    gsems = (gsem0, gsem1, gsem2)

    def gather_desc(g, k, s):
        off = pl.multiple_of(g * GCH + s * SCH, 8)
        return pltpu.make_async_copy(
            embd_hbm.at[idx_v.at[pl.ds(off, SCH)]],
            bufs[k].at[pl.ds(s * SCH, SCH)],
            gsems[k],
        )

    def store_desc(g, k):
        n0 = base + g * GCH
        j = n0 // NI
        i = pl.multiple_of(n0 % NI, GCH)
        return pltpu.make_async_copy(bufs[k], out_hbm.at[j, pl.ds(i, GCH)], ssem)

    def fire_gathers(g, k):
        for s in range(2):
            gather_desc(g, k, s).start()

    def wait_gathers(g, k):
        for s in range(2):
            gather_desc(g, k, s).wait()

    def step(g, k, first=False, fire_next=True):
        kn = (k + 2) % 3
        wait_gathers(g, k)
        if not first:
            store_desc(g - 1, kn).wait()
        if fire_next:
            fire_gathers(g + 2, kn)
        store_desc(g, k).start()

    fire_gathers(0, 0)
    fire_gathers(1, 1)
    step(0, 0, first=True)

    def body(m, carry):
        g = 3 * m + 1
        step(g, 1)
        step(g + 1, 2)
        step(g + 2, 0)
        return carry

    lax.fori_loop(0, (NG - 4) // 3, body, 0)

    step(NG - 3, 1)
    step(NG - 2, 2, fire_next=False)
    step(NG - 1, 0, fire_next=False)
    store_desc(NG - 1, 0).wait()


def kernel(x, embd):
    flat_t = jnp.transpose(x).reshape(-1).astype(jnp.int32)
    out_t = _gather_kernel(flat_t, embd)
    return jnp.transpose(out_t, (1, 0, 2))

# --- scband reference (transcript-rebuilt; emitter-appended) ---
"""Pipeline reference for scband-embedding-38311108280322 (READ-ONLY COPY).

The authoritative reference and input builder live on the scoring server;
editing this copy changes nothing except your own understanding.
"""

import jax, jax.numpy as jnp
import numpy as np

N_EMBD = 100000
D_EMBD = 128

def setup_inputs(seed: int = 0) -> dict:
    key = jax.random.key(seed)
    k1, k2 = jax.random.split(key)
    x = jax.random.randint(k1, (4096, 50), 0, N_EMBD, dtype=jnp.int64 if jax.config.jax_enable_x64 else jnp.int32)
    embd = jax.random.normal(k2, (N_EMBD, D_EMBD), dtype=jnp.float32) * 0.02
    return {"x": x, "embd": embd}

def reference(x, embd):
    # Faithful translation of: out = self.embd[x, :]
    out = jnp.take(embd, x, axis=0)
    return out

if __name__ == "__main__":
    import jax
    _d = setup_inputs()
    print(jax.jit(kernel)(*tuple(_d.values())))

</pallas_src>

<mosaic_0001>
#map = affine_map<(d0, d1) -> (0)>
#map1 = affine_map<(d0, d1) -> (0, 0)>
#map2 = affine_map<(d0, d1) -> (0, 0, 0)>
module attributes {stable_mosaic.version = 14 : i64} {
  func.func @_gather_kernel(%arg0: i32, %arg1: i32, %arg2: memref<204800xi32, #tpu.memory_space<hbm>>, %arg3: memref<100000x128xf32, #tpu.memory_space<hbm>>, %arg4: memref<50x4096x128xf32, #tpu.memory_space<hbm>>, %arg5: memref<6400xi32, #tpu.memory_space<vmem>>, %arg6: memref<256x128xf32, #tpu.memory_space<vmem>>, %arg7: memref<256x128xf32, #tpu.memory_space<vmem>>, %arg8: memref<256x128xf32, #tpu.memory_space<vmem>>, %arg9: memref<!tpu.dma_semaphore, #tpu.memory_space<semaphore_mem>>, %arg10: memref<!tpu.dma_semaphore, #tpu.memory_space<semaphore_mem>>, %arg11: memref<!tpu.dma_semaphore, #tpu.memory_space<semaphore_mem>>, %arg12: memref<!tpu.dma_semaphore, #tpu.memory_space<semaphore_mem>>) attributes {dimension_semantics = [#tpu.dimension_semantics<core_parallel>, #tpu.dimension_semantics<subcore_parallel>], iteration_bounds = array<i64: 2, 16>, scalar_prefetch = 0 : i64, scratch_operands = 8 : i64, tpu.core_type = #tpu.core_type<sc_vector_subcore>, window_params = [{transform_indices = #map}, {transform_indices = #map1}, {transform_indices = #map2}]} {
    %mul3A = arith.constant 2 : i32
    %mul3A_0 = arith.muli %arg1, %mul3A : i32
    %add3A = arith.addi %mul3A_0, %arg0 : i32
    %mul3A_1 = arith.constant 6400 : i32
    %mul3A_2 = arith.muli %add3A, %mul3A_1 : i32
    %multiple_of3A = tpu.assume_multiple %mul3A_2, 256 : i32
    "tpu.region"() ({
      %run_scoped3A = tpu.sem_alloc : memref<!tpu.dma_semaphore, #tpu.memory_space<semaphore_mem>>
      %dma_start3A_532 = tpu.memref_slice %arg2[%multiple_of3A] : memref<204800xi32, #tpu.memory_space<hbm>> -> memref<6400xi32, #tpu.memory_space<hbm>>
      %dma_start3A_533 = tpu.memref_slice %arg2[%multiple_of3A] : memref<204800xi32, #tpu.memory_space<hbm>> -> memref<6400xi32, #tpu.memory_space<hbm>>
      tpu.enqueue_dma source(%dma_start3A_533 : memref<6400xi32, #tpu.memory_space<hbm>>) target(%arg5 : memref<6400xi32, #tpu.memory_space<vmem>>) target_semaphore(%run_scoped3A : memref<!tpu.dma_semaphore, #tpu.memory_space<semaphore_mem>>)
      %dma_wait3A_534 = tpu.memref_slice %arg2[%multiple_of3A] : memref<204800xi32, #tpu.memory_space<hbm>> -> memref<6400xi32, #tpu.memory_space<hbm>>
      %dma_wait3A_535 = tpu.memref_slice %arg2[%multiple_of3A] : memref<204800xi32, #tpu.memory_space<hbm>> -> memref<6400xi32, #tpu.memory_space<hbm>>
      tpu.wait_dma2 semaphore(%run_scoped3A : memref<!tpu.dma_semaphore, #tpu.memory_space<semaphore_mem>>) src(%dma_wait3A_535 : memref<6400xi32, #tpu.memory_space<hbm>>) dst(%arg5 : memref<6400xi32, #tpu.memory_space<vmem>>)
      tpu.yield
    }) : () -> ()
    %multiple_of3A_3 = arith.constant 0 : i32
    %multiple_of3A_4 = tpu.assume_multiple %multiple_of3A_3, 8 : i32
    %dma_start3A = arith.constant 0 : i32
    %dma_start3A_5 = arith.constant 0 : i32
    %dma_start3A_6 = tpu.memref_slice %arg6[%dma_start3A, %dma_start3A_5] : memref<256x128xf32, #tpu.memory_space<vmem>> -> memref<128x128xf32, #tpu.memory_space<vmem>>
    %dma_start3A_7 = tpu.memref_slice %arg5[%multiple_of3A_4] : memref<6400xi32, #tpu.memory_space<vmem>> -> memref<128xi32, #tpu.memory_space<vmem>>
    %dma_start3A_8 = arith.constant 0 : i32
    %dma_start3A_9 = arith.constant 0 : i32
    %dma_start3A_10 = tpu.memref_slice %arg3[%dma_start3A_8, %dma_start3A_9] : memref<100000x128xf32, #tpu.memory_space<hbm>> -> memref<100000x128xf32, #tpu.memory_space<hbm>>
    tpu.enqueue_indirect_dma source(%dma_start3A_10 : memref<100000x128xf32, #tpu.memory_space<hbm>>) target(%dma_start3A_6 : memref<128x128xf32, #tpu.memory_space<vmem>>) offsets(%dma_start3A_7 : memref<128xi32, #tpu.memory_space<vmem>>) semaphore(%arg9 : memref<!tpu.dma_semaphore, #tpu.memory_space<semaphore_mem>>)
    %multiple_of3A_11 = arith.constant 128 : i32
    %multiple_of3A_12 = tpu.assume_multiple %multiple_of3A_11, 8 : i32
    %dma_start3A_13 = arith.constant 128 : i32
    %dma_start3A_14 = arith.constant 0 : i32
    %dma_start3A_15 = tpu.memref_slice %arg6[%dma_start3A_13, %dma_start3A_14] : memref<256x128xf32, #tpu.memory_space<vmem>> -> memref<128x128xf32, #tpu.memory_space<vmem>>
    %dma_start3A_16 = tpu.memref_slice %arg5[%multiple_of3A_12] : memref<6400xi32, #tpu.memory_space<vmem>> -> memref<128xi32, #tpu.memory_space<vmem>>
    %dma_start3A_17 = arith.constant 0 : i32
    %dma_start3A_18 = arith.constant 0 : i32
    %dma_start3A_19 = tpu.memref_slice %arg3[%dma_start3A_17, %dma_start3A_18] : memref<100000x128xf32, #tpu.memory_space<hbm>> -> memref<100000x128xf32, #tpu.memory_space<hbm>>
    tpu.enqueue_indirect_dma source(%dma_start3A_19 : memref<100000x128xf32, #tpu.memory_space<hbm>>) target(%dma_start3A_15 : memref<128x128xf32, #tpu.memory_space<vmem>>) offsets(%dma_start3A_16 : memref<128xi32, #tpu.memory_space<vmem>>) semaphore(%arg9 : memref<!tpu.dma_semaphore, #tpu.memory_space<semaphore_mem>>)
    %multiple_of3A_20 = arith.constant 256 : i32
    %multiple_of3A_21 = tpu.assume_multiple %multiple_of3A_20, 8 : i32
    %dma_start3A_22 = arith.constant 0 : i32
    %dma_start3A_23 = arith.constant 0 : i32
    %dma_start3A_24 = tpu.memref_slice %arg7[%dma_start3A_22, %dma_start3A_23] : memref<256x128xf32, #tpu.memory_space<vmem>> -> memref<128x128xf32, #tpu.memory_space<vmem>>
    %dma_start3A_25 = tpu.memref_slice %arg5[%multiple_of3A_21] : memref<6400xi32, #tpu.memory_space<vmem>> -> memref<128xi32, #tpu.memory_space<vmem>>
    %dma_start3A_26 = arith.constant 0 : i32
    %dma_start3A_27 = arith.constant 0 : i32
    %dma_start3A_28 = tpu.memref_slice %arg3[%dma_start3A_26, %dma_start3A_27] : memref<100000x128xf32, #tpu.memory_space<hbm>> -> memref<100000x128xf32, #tpu.memory_space<hbm>>
    tpu.enqueue_indirect_dma source(%dma_start3A_28 : memref<100000x128xf32, #tpu.memory_space<hbm>>) target(%dma_start3A_24 : memref<128x128xf32, #tpu.memory_space<vmem>>) offsets(%dma_start3A_25 : memref<128xi32, #tpu.memory_space<vmem>>) semaphore(%arg10 : memref<!tpu.dma_semaphore, #tpu.memory_space<semaphore_mem>>)
    %multiple_of3A_29 = arith.constant 384 : i32
    %multiple_of3A_30 = tpu.assume_multiple %multiple_of3A_29, 8 : i32
    %dma_start3A_31 = arith.constant 128 : i32
    %dma_start3A_32 = arith.constant 0 : i32
    %dma_start3A_33 = tpu.memref_slice %arg7[%dma_start3A_31, %dma_start3A_32] : memref<256x128xf32, #tpu.memory_space<vmem>> -> memref<128x128xf32, #tpu.memory_space<vmem>>
    %dma_start3A_34 = tpu.memref_slice %arg5[%multiple_of3A_30] : memref<6400xi32, #tpu.memory_space<vmem>> -> memref<128xi32, #tpu.memory_space<vmem>>
    %dma_start3A_35 = arith.constant 0 : i32
    %dma_start3A_36 = arith.constant 0 : i32
    %dma_start3A_37 = tpu.memref_slice %arg3[%dma_start3A_35, %dma_start3A_36] : memref<100000x128xf32, #tpu.memory_space<hbm>> -> memref<100000x128xf32, #tpu.memory_space<hbm>>
    tpu.enqueue_indirect_dma source(%dma_start3A_37 : memref<100000x128xf32, #tpu.memory_space<hbm>>) target(%dma_start3A_33 : memref<128x128xf32, #tpu.memory_space<vmem>>) offsets(%dma_start3A_34 : memref<128xi32, #tpu.memory_space<vmem>>) semaphore(%arg10 : memref<!tpu.dma_semaphore, #tpu.memory_space<semaphore_mem>>)
    %multiple_of3A_38 = arith.constant 0 : i32
    %multiple_of3A_39 = tpu.assume_multiple %multiple_of3A_38, 8 : i32
    %dma_wait3A = arith.constant 0 : i32
    %dma_wait3A_40 = arith.constant 0 : i32
    %dma_wait3A_41 = tpu.memref_slice %arg6[%dma_wait3A, %dma_wait3A_40] : memref<256x128xf32, #tpu.memory_space<vmem>> -> memref<128x128xf32, #tpu.memory_space<vmem>>
    %dma_wait3A_42 = tpu.memref_slice %arg5[%multiple_of3A_39] : memref<6400xi32, #tpu.memory_space<vmem>> -> memref<128xi32, #tpu.memory_space<vmem>>
    %dma_wait3A_43 = arith.constant 0 : i32
    %dma_wait3A_44 = arith.constant 0 : i32
    %dma_wait3A_45 = tpu.memref_slice %arg3[%dma_wait3A_43, %dma_wait3A_44] : memref<100000x128xf32, #tpu.memory_space<hbm>> -> memref<100000x128xf32, #tpu.memory_space<hbm>>
    tpu.wait_indirect_dma semaphore(%arg9 : memref<!tpu.dma_semaphore, #tpu.memory_space<semaphore_mem>>) src(%dma_wait3A_45 : memref<100000x128xf32, #tpu.memory_space<hbm>>) dst(%dma_wait3A_41 : memref<128x128xf32, #tpu.memory_space<vmem>>)
    %multiple_of3A_46 = arith.constant 128 : i32
    %multiple_of3A_47 = tpu.assume_multiple %multiple_of3A_46, 8 : i32
    %dma_wait3A_48 = arith.constant 128 : i32
    %dma_wait3A_49 = arith.constant 0 : i32
    %dma_wait3A_50 = tpu.memref_slice %arg6[%dma_wait3A_48, %dma_wait3A_49] : memref<256x128xf32, #tpu.memory_space<vmem>> -> memref<128x128xf32, #tpu.memory_space<vmem>>
    %dma_wait3A_51 = tpu.memref_slice %arg5[%multiple_of3A_47] : memref<6400xi32, #tpu.memory_space<vmem>> -> memref<128xi32, #tpu.memory_space<vmem>>
    %dma_wait3A_52 = arith.constant 0 : i32
    %dma_wait3A_53 = arith.constant 0 : i32
    %dma_wait3A_54 = tpu.memref_slice %arg3[%dma_wait3A_52, %dma_wait3A_53] : memref<100000x128xf32, #tpu.memory_space<hbm>> -> memref<100000x128xf32, #tpu.memory_space<hbm>>
    tpu.wait_indirect_dma semaphore(%arg9 : memref<!tpu.dma_semaphore, #tpu.memory_space<semaphore_mem>>) src(%dma_wait3A_54 : memref<100000x128xf32, #tpu.memory_space<hbm>>) dst(%dma_wait3A_50 : memref<128x128xf32, #tpu.memory_space<vmem>>)
    %multiple_of3A_55 = arith.constant 512 : i32
    %multiple_of3A_56 = tpu.assume_multiple %multiple_of3A_55, 8 : i32
    %dma_start3A_57 = arith.constant 0 : i32
    %dma_start3A_58 = arith.constant 0 : i32
    %dma_start3A_59 = tpu.memref_slice %arg8[%dma_start3A_57, %dma_start3A_58] : memref<256x128xf32, #tpu.memory_space<vmem>> -> memref<128x128xf32, #tpu.memory_space<vmem>>
    %dma_start3A_60 = tpu.memref_slice %arg5[%multiple_of3A_56] : memref<6400xi32, #tpu.memory_space<vmem>> -> memref<128xi32, #tpu.memory_space<vmem>>
    %dma_start3A_61 = arith.constant 0 : i32
    %dma_start3A_62 = arith.constant 0 : i32
    %dma_start3A_63 = tpu.memref_slice %arg3[%dma_start3A_61, %dma_start3A_62] : memref<100000x128xf32, #tpu.memory_space<hbm>> -> memref<100000x128xf32, #tpu.memory_space<hbm>>
    tpu.enqueue_indirect_dma source(%dma_start3A_63 : memref<100000x128xf32, #tpu.memory_space<hbm>>) target(%dma_start3A_59 : memref<128x128xf32, #tpu.memory_space<vmem>>) offsets(%dma_start3A_60 : memref<128xi32, #tpu.memory_space<vmem>>) semaphore(%arg11 : memref<!tpu.dma_semaphore, #tpu.memory_space<semaphore_mem>>)
    %multiple_of3A_64 = arith.constant 640 : i32
    %multiple_of3A_65 = tpu.assume_multiple %multiple_of3A_64, 8 : i32
    %dma_start3A_66 = arith.constant 128 : i32
    %dma_start3A_67 = arith.constant 0 : i32
    %dma_start3A_68 = tpu.memref_slice %arg8[%dma_start3A_66, %dma_start3A_67] : memref<256x128xf32, #tpu.memory_space<vmem>> -> memref<128x128xf32, #tpu.memory_space<vmem>>
    %dma_start3A_69 = tpu.memref_slice %arg5[%multiple_of3A_65] : memref<6400xi32, #tpu.memory_space<vmem>> -> memref<128xi32, #tpu.memory_space<vmem>>
    %dma_start3A_70 = arith.constant 0 : i32
    %dma_start3A_71 = arith.constant 0 : i32
    %dma_start3A_72 = tpu.memref_slice %arg3[%dma_start3A_70, %dma_start3A_71] : memref<100000x128xf32, #tpu.memory_space<hbm>> -> memref<100000x128xf32, #tpu.memory_space<hbm>>
    tpu.enqueue_indirect_dma source(%dma_start3A_72 : memref<100000x128xf32, #tpu.memory_space<hbm>>) target(%dma_start3A_68 : memref<128x128xf32, #tpu.memory_space<vmem>>) offsets(%dma_start3A_69 : memref<128xi32, #tpu.memory_space<vmem>>) semaphore(%arg11 : memref<!tpu.dma_semaphore, #tpu.memory_space<semaphore_mem>>)
    %add3A_73 = arith.constant 0 : i32
    %add3A_74 = arith.addi %multiple_of3A, %add3A_73 : i32
    %jit3A = arith.constant 4096 : i32
    %div3A = arith.divsi %add3A_74, %jit3A : i32
    %sign3A = arith.constant 0 : i32
    %sign3A_75 = arith.cmpi sgt, %add3A_74, %sign3A : i32
    %sign3A_76 = arith.extui %sign3A_75 : i1 to i32
    %sign3A_77 = arith.constant 0 : i32
    %sign3A_78 = arith.cmpi slt, %add3A_74, %sign3A_77 : i32
    %sign3A_79 = arith.extui %sign3A_78 : i1 to i32
    %sign3A_80 = arith.subi %sign3A_76, %sign3A_79 : i32
    %sign3A_81 = arith.constant 0 : i32
    %sign3A_82 = arith.cmpi sgt, %jit3A, %sign3A_81 : i32
    %sign3A_83 = arith.extui %sign3A_82 : i1 to i32
    %sign3A_84 = arith.constant 0 : i32
    %sign3A_85 = arith.cmpi slt, %jit3A, %sign3A_84 : i32
    %sign3A_86 = arith.extui %sign3A_85 : i1 to i32
    %sign3A_87 = arith.subi %sign3A_83, %sign3A_86 : i32
    %ne3A = arith.cmpi ne, %sign3A_80, %sign3A_87 : i32
    %rem3A = arith.remsi %add3A_74, %jit3A : i32
    %ne3A_88 = arith.constant 0 : i32
    %ne3A_89 = arith.cmpi ne, %rem3A, %ne3A_88 : i32
    %and3A = arith.andi %ne3A, %ne3A_89 : i1
    %sub3A = arith.constant 1 : i32
    %sub3A_90 = arith.subi %div3A, %sub3A : i32
    %select_n3A = arith.select %and3A, %sub3A_90, %div3A : i32
    %jit3A_91 = arith.constant 4096 : i32
    %eq3A = arith.constant 0 : i32
    %eq3A_92 = arith.cmpi eq, %jit3A_91, %eq3A : i32
    %jit3A_93 = arith.constant 1 : i32
    %select_n3A_94 = arith.select %eq3A_92, %jit3A_93, %jit3A_91 : i32
    %rem3A_95 = arith.remsi %add3A_74, %select_n3A_94 : i32
    %ne3A_96 = arith.constant 0 : i32
    %ne3A_97 = arith.cmpi ne, %rem3A_95, %ne3A_96 : i32
    %lt3A = arith.constant 0 : i32
    %lt3A_98 = arith.cmpi slt, %rem3A_95, %lt3A : i32
    %lt3A_99 = arith.constant 0 : i32
    %lt3A_100 = arith.cmpi slt, %select_n3A_94, %lt3A_99 : i32
    %ne3A_101 = arith.xori %lt3A_98, %lt3A_100 : i1
    %and3A_102 = arith.andi %ne3A_101, %ne3A_97 : i1
    %add3A_103 = arith.addi %rem3A_95, %select_n3A_94 : i32
    %select_n3A_104 = arith.select %and3A_102, %add3A_103, %rem3A_95 : i32
    %multiple_of3A_105 = tpu.assume_multiple %select_n3A_104, 256 : i32
    %dma_start3A_106 = arith.constant 0 : i32
    %dma_start3A_107 = tpu.memref_slice %arg4[%select_n3A, %multiple_of3A_105, %dma_start3A_106] : memref<50x4096x128xf32, #tpu.memory_space<hbm>> -> memref<1x256x128xf32, #tpu.memory_space<hbm>>
    %dma_start3A_108 = tpu.memref_squeeze %dma_start3A_107 : memref<1x256x128xf32, #tpu.memory_space<hbm>> -> memref<256x128xf32, #tpu.memory_space<hbm>>
    %dma_start3A_109 = arith.constant 0 : i32
    %dma_start3A_110 = tpu.memref_slice %arg4[%select_n3A, %multiple_of3A_105, %dma_start3A_109] : memref<50x4096x128xf32, #tpu.memory_space<hbm>> -> memref<1x256x128xf32, #tpu.memory_space<hbm>>
    %dma_start3A_111 = tpu.memref_squeeze %dma_start3A_110 : memref<1x256x128xf32, #tpu.memory_space<hbm>> -> memref<256x128xf32, #tpu.memory_space<hbm>>
    tpu.enqueue_dma source(%arg6 : memref<256x128xf32, #tpu.memory_space<vmem>>) target(%dma_start3A_111 : memref<256x128xf32, #tpu.memory_space<hbm>>) target_semaphore(%arg12 : memref<!tpu.dma_semaphore, #tpu.memory_space<semaphore_mem>>)
    %scan3A = arith.constant 0 : i32
    %scan3A_112 = arith.constant 0 : i32
    %scan3A_113 = arith.constant 7 : i32
    %scan3A_114 = arith.addi %scan3A_112, %scan3A_113 : i32
    %scan3A_115 = arith.constant 1 : i32
    scf.for %scan3A_532 = %scan3A_112 to %scan3A_114 step %scan3A_115  : i32 {
      %mul3A_533 = arith.constant 3 : i32
      %mul3A_534 = arith.muli %mul3A_533, %scan3A_532 : i32
      %add3A_535 = arith.constant 1 : i32
      %add3A_536 = arith.addi %mul3A_534, %add3A_535 : i32
      %mul3A_537 = arith.constant 256 : i32
      %mul3A_538 = arith.muli %add3A_536, %mul3A_537 : i32
      %add3A_539 = arith.constant 0 : i32
      %add3A_540 = arith.addi %mul3A_538, %add3A_539 : i32
      %multiple_of3A_541 = tpu.assume_multiple %add3A_540, 8 : i32
      %dma_wait3A_542 = arith.constant 0 : i32
      %dma_wait3A_543 = arith.constant 0 : i32
      %dma_wait3A_544 = tpu.memref_slice %arg7[%dma_wait3A_542, %dma_wait3A_543] : memref<256x128xf32, #tpu.memory_space<vmem>> -> memref<128x128xf32, #tpu.memory_space<vmem>>
      %dma_wait3A_545 = tpu.memref_slice %arg5[%multiple_of3A_541] : memref<6400xi32, #tpu.memory_space<vmem>> -> memref<128xi32, #tpu.memory_space<vmem>>
      %dma_wait3A_546 = arith.constant 0 : i32
      %dma_wait3A_547 = arith.constant 0 : i32
      %dma_wait3A_548 = tpu.memref_slice %arg3[%dma_wait3A_546, %dma_wait3A_547] : memref<100000x128xf32, #tpu.memory_space<hbm>> -> memref<100000x128xf32, #tpu.memory_space<hbm>>
      tpu.wait_indirect_dma semaphore(%arg10 : memref<!tpu.dma_semaphore, #tpu.memory_space<semaphore_mem>>) src(%dma_wait3A_548 : memref<100000x128xf32, #tpu.memory_space<hbm>>) dst(%dma_wait3A_544 : memref<128x128xf32, #tpu.memory_space<vmem>>)
      %mul3A_549 = arith.constant 256 : i32
      %mul3A_550 = arith.muli %add3A_536, %mul3A_549 : i32
      %add3A_551 = arith.constant 128 : i32
      %add3A_552 = arith.addi %mul3A_550, %add3A_551 : i32
      %multiple_of3A_553 = tpu.assume_multiple %add3A_552, 8 : i32
      %dma_wait3A_554 = arith.constant 128 : i32
      %dma_wait3A_555 = arith.constant 0 : i32
      %dma_wait3A_556 = tpu.memref_slice %arg7[%dma_wait3A_554, %dma_wait3A_555] : memref<256x128xf32, #tpu.memory_space<vmem>> -> memref<128x128xf32, #tpu.memory_space<vmem>>
      %dma_wait3A_557 = tpu.memref_slice %arg5[%multiple_of3A_553] : memref<6400xi32, #tpu.memory_space<vmem>> -> memref<128xi32, #tpu.memory_space<vmem>>
      %dma_wait3A_558 = arith.constant 0 : i32
      %dma_wait3A_559 = arith.constant 0 : i32
      %dma_wait3A_560 = tpu.memref_slice %arg3[%dma_wait3A_558, %dma_wait3A_559] : memref<100000x128xf32, #tpu.memory_space<hbm>> -> memref<100000x128xf32, #tpu.memory_space<hbm>>
      tpu.wait_indirect_dma semaphore(%arg10 : memref<!tpu.dma_semaphore, #tpu.memory_space<semaphore_mem>>) src(%dma_wait3A_560 : memref<100000x128xf32, #tpu.memory_space<hbm>>) dst(%dma_wait3A_556 : memref<128x128xf32, #tpu.memory_space<vmem>>)
      %sub3A_561 = arith.constant 1 : i32
      %sub3A_562 = arith.subi %add3A_536, %sub3A_561 : i32
      %mul3A_563 = arith.constant 256 : i32
      %mul3A_564 = arith.muli %sub3A_562, %mul3A_563 : i32
      %add3A_565 = arith.addi %multiple_of3A, %mul3A_564 : i32
      %jit3A_566 = arith.constant 4096 : i32
      %div3A_567 = arith.divsi %add3A_565, %jit3A_566 : i32
      %sign3A_568 = arith.constant 0 : i32
      %sign3A_569 = arith.cmpi sgt, %add3A_565, %sign3A_568 : i32
      %sign3A_570 = arith.extui %sign3A_569 : i1 to i32
      %sign3A_571 = arith.constant 0 : i32
      %sign3A_572 = arith.cmpi slt, %add3A_565, %sign3A_571 : i32
      %sign3A_573 = arith.extui %sign3A_572 : i1 to i32
      %sign3A_574 = arith.subi %sign3A_570, %sign3A_573 : i32
      %sign3A_575 = arith.constant 0 : i32
      %sign3A_576 = arith.cmpi sgt, %jit3A_566, %sign3A_575 : i32
      %sign3A_577 = arith.extui %sign3A_576 : i1 to i32
      %sign3A_578 = arith.constant 0 : i32
      %sign3A_579 = arith.cmpi slt, %jit3A_566, %sign3A_578 : i32
      %sign3A_580 = arith.extui %sign3A_579 : i1 to i32
      %sign3A_581 = arith.subi %sign3A_577, %sign3A_580 : i32
      %ne3A_582 = arith.cmpi ne, %sign3A_574, %sign3A_581 : i32
      %rem3A_583 = arith.remsi %add3A_565, %jit3A_566 : i32
      %ne3A_584 = arith.constant 0 : i32
      %ne3A_585 = arith.cmpi ne, %rem3A_583, %ne3A_584 : i32
      %and3A_586 = arith.andi %ne3A_582, %ne3A_585 : i1
      %sub3A_587 = arith.constant 1 : i32
      %sub3A_588 = arith.subi %div3A_567, %sub3A_587 : i32
      %select_n3A_589 = arith.select %and3A_586, %sub3A_588, %div3A_567 : i32
      %jit3A_590 = arith.constant 4096 : i32
      %eq3A_591 = arith.constant 0 : i32
      %eq3A_592 = arith.cmpi eq, %jit3A_590, %eq3A_591 : i32
      %jit3A_593 = arith.constant 1 : i32
      %select_n3A_594 = arith.select %eq3A_592, %jit3A_593, %jit3A_590 : i32
      %rem3A_595 = arith.remsi %add3A_565, %select_n3A_594 : i32
      %ne3A_596 = arith.constant 0 : i32
      %ne3A_597 = arith.cmpi ne, %rem3A_595, %ne3A_596 : i32
      %lt3A_598 = arith.constant 0 : i32
      %lt3A_599 = arith.cmpi slt, %rem3A_595, %lt3A_598 : i32
      %lt3A_600 = arith.constant 0 : i32
      %lt3A_601 = arith.cmpi slt, %select_n3A_594, %lt3A_600 : i32
      %ne3A_602 = arith.xori %lt3A_599, %lt3A_601 : i1
      %and3A_603 = arith.andi %ne3A_602, %ne3A_597 : i1
      %add3A_604 = arith.addi %rem3A_595, %select_n3A_594 : i32
      %select_n3A_605 = arith.select %and3A_603, %add3A_604, %rem3A_595 : i32
      %multiple_of3A_606 = tpu.assume_multiple %select_n3A_605, 256 : i32
      %dma_wait3A_607 = arith.constant 0 : i32
      %dma_wait3A_608 = tpu.memref_slice %arg4[%select_n3A_589, %multiple_of3A_606, %dma_wait3A_607] : memref<50x4096x128xf32, #tpu.memory_space<hbm>> -> memref<1x256x128xf32, #tpu.memory_space<hbm>>
      %dma_wait3A_609 = tpu.memref_squeeze %dma_wait3A_608 : memref<1x256x128xf32, #tpu.memory_space<hbm>> -> memref<256x128xf32, #tpu.memory_space<hbm>>
      %dma_wait3A_610 = arith.constant 0 : i32
      %dma_wait3A_611 = tpu.memref_slice %arg4[%select_n3A_589, %multiple_of3A_606, %dma_wait3A_610] : memref<50x4096x128xf32, #tpu.memory_space<hbm>> -> memref<1x256x128xf32, #tpu.memory_space<hbm>>
      %dma_wait3A_612 = tpu.memref_squeeze %dma_wait3A_611 : memref<1x256x128xf32, #tpu.memory_space<hbm>> -> memref<256x128xf32, #tpu.memory_space<hbm>>
      tpu.wait_dma2 semaphore(%arg12 : memref<!tpu.dma_semaphore, #tpu.memory_space<semaphore_mem>>) src(%arg6 : memref<256x128xf32, #tpu.memory_space<vmem>>) dst(%dma_wait3A_612 : memref<256x128xf32, #tpu.memory_space<hbm>>)
      %add3A_613 = arith.constant 2 : i32
      %add3A_614 = arith.addi %add3A_536, %add3A_613 : i32
      %mul3A_615 = arith.constant 256 : i32
      %mul3A_616 = arith.muli %add3A_614, %mul3A_615 : i32
      %add3A_617 = arith.constant 0 : i32
      %add3A_618 = arith.addi %mul3A_616, %add3A_617 : i32
      %multiple_of3A_619 = tpu.assume_multiple %add3A_618, 8 : i32
      %dma_start3A_620 = arith.constant 0 : i32
      %dma_start3A_621 = arith.constant 0 : i32
      %dma_start3A_622 = tpu.memref_slice %arg6[%dma_start3A_620, %dma_start3A_621] : memref<256x128xf32, #tpu.memory_space<vmem>> -> memref<128x128xf32, #tpu.memory_space<vmem>>
      %dma_start3A_623 = tpu.memref_slice %arg5[%multiple_of3A_619] : memref<6400xi32, #tpu.memory_space<vmem>> -> memref<128xi32, #tpu.memory_space<vmem>>
      %dma_start3A_624 = arith.constant 0 : i32
      %dma_start3A_625 = arith.constant 0 : i32
      %dma_start3A_626 = tpu.memref_slice %arg3[%dma_start3A_624, %dma_start3A_625] : memref<100000x128xf32, #tpu.memory_space<hbm>> -> memref<100000x128xf32, #tpu.memory_space<hbm>>
      tpu.enqueue_indirect_dma source(%dma_start3A_626 : memref<100000x128xf32, #tpu.memory_space<hbm>>) target(%dma_start3A_622 : memref<128x128xf32, #tpu.memory_space<vmem>>) offsets(%dma_start3A_623 : memref<128xi32, #tpu.memory_space<vmem>>) semaphore(%arg9 : memref<!tpu.dma_semaphore, #tpu.memory_space<semaphore_mem>>)
      %mul3A_627 = arith.constant 256 : i32
      %mul3A_628 = arith.muli %add3A_614, %mul3A_627 : i32
      %add3A_629 = arith.constant 128 : i32
      %add3A_630 = arith.addi %mul3A_628, %add3A_629 : i32
      %multiple_of3A_631 = tpu.assume_multiple %add3A_630, 8 : i32
      %dma_start3A_632 = arith.constant 128 : i32
      %dma_start3A_633 = arith.constant 0 : i32
      %dma_start3A_634 = tpu.memref_slice %arg6[%dma_start3A_632, %dma_start3A_633] : memref<256x128xf32, #tpu.memory_space<vmem>> -> memref<128x128xf32, #tpu.memory_space<vmem>>
      %dma_start3A_635 = tpu.memref_slice %arg5[%multiple_of3A_631] : memref<6400xi32, #tpu.memory_space<vmem>> -> memref<128xi32, #tpu.memory_space<vmem>>
      %dma_start3A_636 = arith.constant 0 : i32
      %dma_start3A_637 = arith.constant 0 : i32
      %dma_start3A_638 = tpu.memref_slice %arg3[%dma_start3A_636, %dma_start3A_637] : memref<100000x128xf32, #tpu.memory_space<hbm>> -> memref<100000x128xf32, #tpu.memory_space<hbm>>
      tpu.enqueue_indirect_dma source(%dma_start3A_638 : memref<100000x128xf32, #tpu.memory_space<hbm>>) target(%dma_start3A_634 : memref<128x128xf32, #tpu.memory_space<vmem>>) offsets(%dma_start3A_635 : memref<128xi32, #tpu.memory_space<vmem>>) semaphore(%arg9 : memref<!tpu.dma_semaphore, #tpu.memory_space<semaphore_mem>>)
      %mul3A_639 = arith.constant 256 : i32
      %mul3A_640 = arith.muli %add3A_536, %mul3A_639 : i32
      %add3A_641 = arith.addi %multiple_of3A, %mul3A_640 : i32
      %jit3A_642 = arith.constant 4096 : i32
      %div3A_643 = arith.divsi %add3A_641, %jit3A_642 : i32
      %sign3A_644 = arith.constant 0 : i32
      %sign3A_645 = arith.cmpi sgt, %add3A_641, %sign3A_644 : i32
      %sign3A_646 = arith.extui %sign3A_645 : i1 to i32
      %sign3A_647 = arith.constant 0 : i32
      %sign3A_648 = arith.cmpi slt, %add3A_641, %sign3A_647 : i32
      %sign3A_649 = arith.extui %sign3A_648 : i1 to i32
      %sign3A_650 = arith.subi %sign3A_646, %sign3A_649 : i32
      %sign3A_651 = arith.constant 0 : i32
      %sign3A_652 = arith.cmpi sgt, %jit3A_642, %sign3A_651 : i32
      %sign3A_653 = arith.extui %sign3A_652 : i1 to i32
      %sign3A_654 = arith.constant 0 : i32
      %sign3A_655 = arith.cmpi slt, %jit3A_642, %sign3A_654 : i32
      %sign3A_656 = arith.extui %sign3A_655 : i1 to i32
      %sign3A_657 = arith.subi %sign3A_653, %sign3A_656 : i32
      %ne3A_658 = arith.cmpi ne, %sign3A_650, %sign3A_657 : i32
      %rem3A_659 = arith.remsi %add3A_641, %jit3A_642 : i32
      %ne3A_660 = arith.constant 0 : i32
      %ne3A_661 = arith.cmpi ne, %rem3A_659, %ne3A_660 : i32
      %and3A_662 = arith.andi %ne3A_658, %ne3A_661 : i1
      %sub3A_663 = arith.constant 1 : i32
      %sub3A_664 = arith.subi %div3A_643, %sub3A_663 : i32
      %select_n3A_665 = arith.select %and3A_662, %sub3A_664, %div3A_643 : i32
      %jit3A_666 = arith.constant 4096 : i32
      %eq3A_667 = arith.constant 0 : i32
      %eq3A_668 = arith.cmpi eq, %jit3A_666, %eq3A_667 : i32
      %jit3A_669 = arith.constant 1 : i32
      %select_n3A_670 = arith.select %eq3A_668, %jit3A_669, %jit3A_666 : i32
      %rem3A_671 = arith.remsi %add3A_641, %select_n3A_670 : i32
      %ne3A_672 = arith.constant 0 : i32
      %ne3A_673 = arith.cmpi ne, %rem3A_671, %ne3A_672 : i32
      %lt3A_674 = arith.constant 0 : i32
      %lt3A_675 = arith.cmpi slt, %rem3A_671, %lt3A_674 : i32
      %lt3A_676 = arith.constant 0 : i32
      %lt3A_677 = arith.cmpi slt, %select_n3A_670, %lt3A_676 : i32
      %ne3A_678 = arith.xori %lt3A_675, %lt3A_677 : i1
      %and3A_679 = arith.andi %ne3A_678, %ne3A_673 : i1
      %add3A_680 = arith.addi %rem3A_671, %select_n3A_670 : i32
      %select_n3A_681 = arith.select %and3A_679, %add3A_680, %rem3A_671 : i32
      %multiple_of3A_682 = tpu.assume_multiple %select_n3A_681, 256 : i32
      %dma_start3A_683 = arith.constant 0 : i32
      %dma_start3A_684 = tpu.memref_slice %arg4[%select_n3A_665, %multiple_of3A_682, %dma_start3A_683] : memref<50x4096x128xf32, #tpu.memory_space<hbm>> -> memref<1x256x128xf32, #tpu.memory_space<hbm>>
      %dma_start3A_685 = tpu.memref_squeeze %dma_start3A_684 : memref<1x256x128xf32, #tpu.memory_space<hbm>> -> memref<256x128xf32, #tpu.memory_space<hbm>>
      %dma_start3A_686 = arith.constant 0 : i32
      %dma_start3A_687 = tpu.memref_slice %arg4[%select_n3A_665, %multiple_of3A_682, %dma_start3A_686] : memref<50x4096x128xf32, #tpu.memory_space<hbm>> -> memref<1x256x128xf32, #tpu.memory_space<hbm>>
      %dma_start3A_688 = tpu.memref_squeeze %dma_start3A_687 : memref<1x256x128xf32, #tpu.memory_space<hbm>> -> memref<256x128xf32, #tpu.memory_space<hbm>>
      tpu.enqueue_dma source(%arg7 : memref<256x128xf32, #tpu.memory_space<vmem>>) target(%dma_start3A_688 : memref<256x128xf32, #tpu.memory_space<hbm>>) target_semaphore(%arg12 : memref<!tpu.dma_semaphore, #tpu.memory_space<semaphore_mem>>)
      %add3A_689 = arith.constant 1 : i32
      %add3A_690 = arith.addi %add3A_536, %add3A_689 : i32
      %mul3A_691 = arith.constant 256 : i32
      %mul3A_692 = arith.muli %add3A_690, %mul3A_691 : i32
      %add3A_693 = arith.constant 0 : i32
      %add3A_694 = arith.addi %mul3A_692, %add3A_693 : i32
      %multiple_of3A_695 = tpu.assume_multiple %add3A_694, 8 : i32
      %dma_wait3A_696 = arith.constant 0 : i32
      %dma_wait3A_697 = arith.constant 0 : i32
      %dma_wait3A_698 = tpu.memref_slice %arg8[%dma_wait3A_696, %dma_wait3A_697] : memref<256x128xf32, #tpu.memory_space<vmem>> -> memref<128x128xf32, #tpu.memory_space<vmem>>
      %dma_wait3A_699 = tpu.memref_slice %arg5[%multiple_of3A_695] : memref<6400xi32, #tpu.memory_space<vmem>> -> memref<128xi32, #tpu.memory_space<vmem>>
      %dma_wait3A_700 = arith.constant 0 : i32
      %dma_wait3A_701 = arith.constant 0 : i32
      %dma_wait3A_702 = tpu.memref_slice %arg3[%dma_wait3A_700, %dma_wait3A_701] : memref<100000x128xf32, #tpu.memory_space<hbm>> -> memref<100000x128xf32, #tpu.memory_space<hbm>>
      tpu.wait_indirect_dma semaphore(%arg11 : memref<!tpu.dma_semaphore, #tpu.memory_space<semaphore_mem>>) src(%dma_wait3A_702 : memref<100000x128xf32, #tpu.memory_space<hbm>>) dst(%dma_wait3A_698 : memref<128x128xf32, #tpu.memory_space<vmem>>)
      %mul3A_703 = arith.constant 256 : i32
      %mul3A_704 = arith.muli %add3A_690, %mul3A_703 : i32
      %add3A_705 = arith.constant 128 : i32
      %add3A_706 = arith.addi %mul3A_704, %add3A_705 : i32
      %multiple_of3A_707 = tpu.assume_multiple %add3A_706, 8 : i32
      %dma_wait3A_708 = arith.constant 128 : i32
      %dma_wait3A_709 = arith.constant 0 : i32
      %dma_wait3A_710 = tpu.memref_slice %arg8[%dma_wait3A_708, %dma_wait3A_709] : memref<256x128xf32, #tpu.memory_space<vmem>> -> memref<128x128xf32, #tpu.memory_space<vmem>>
      %dma_wait3A_711 = tpu.memref_slice %arg5[%multiple_of3A_707] : memref<6400xi32, #tpu.memory_space<vmem>> -> memref<128xi32, #tpu.memory_space<vmem>>
      %dma_wait3A_712 = arith.constant 0 : i32
      %dma_wait3A_713 = arith.constant 0 : i32
      %dma_wait3A_714 = tpu.memref_slice %arg3[%dma_wait3A_712, %dma_wait3A_713] : memref<100000x128xf32, #tpu.memory_space<hbm>> -> memref<100000x128xf32, #tpu.memory_space<hbm>>
      tpu.wait_indirect_dma semaphore(%arg11 : memref<!tpu.dma_semaphore, #tpu.memory_space<semaphore_mem>>) src(%dma_wait3A_714 : memref<100000x128xf32, #tpu.memory_space<hbm>>) dst(%dma_wait3A_710 : memref<128x128xf32, #tpu.memory_space<vmem>>)
      %sub3A_715 = arith.constant 1 : i32
      %sub3A_716 = arith.subi %add3A_690, %sub3A_715 : i32
      %mul3A_717 = arith.constant 256 : i32
      %mul3A_718 = arith.muli %sub3A_716, %mul3A_717 : i32
      %add3A_719 = arith.addi %multiple_of3A, %mul3A_718 : i32
      %jit3A_720 = arith.constant 4096 : i32
      %div3A_721 = arith.divsi %add3A_719, %jit3A_720 : i32
      %sign3A_722 = arith.constant 0 : i32
      %sign3A_723 = arith.cmpi sgt, %add3A_719, %sign3A_722 : i32
      %sign3A_724 = arith.extui %sign3A_723 : i1 to i32
      %sign3A_725 = arith.constant 0 : i32
      %sign3A_726 = arith.cmpi slt, %add3A_719, %sign3A_725 : i32
      %sign3A_727 = arith.extui %sign3A_726 : i1 to i32
      %sign3A_728 = arith.subi %sign3A_724, %sign3A_727 : i32
      %sign3A_729 = arith.constant 0 : i32
      %sign3A_730 = arith.cmpi sgt, %jit3A_720, %sign3A_729 : i32
      %sign3A_731 = arith.extui %sign3A_730 : i1 to i32
      %sign3A_732 = arith.constant 0 : i32
      %sign3A_733 = arith.cmpi slt, %jit3A_720, %sign3A_732 : i32
      %sign3A_734 = arith.extui %sign3A_733 : i1 to i32
      %sign3A_735 = arith.subi %sign3A_731, %sign3A_734 : i32
      %ne3A_736 = arith.cmpi ne, %sign3A_728, %sign3A_735 : i32
      %rem3A_737 = arith.remsi %add3A_719, %jit3A_720 : i32
      %ne3A_738 = arith.constant 0 : i32
      %ne3A_739 = arith.cmpi ne, %rem3A_737, %ne3A_738 : i32
      %and3A_740 = arith.andi %ne3A_736, %ne3A_739 : i1
      %sub3A_741 = arith.constant 1 : i32
      %sub3A_742 = arith.subi %div3A_721, %sub3A_741 : i32
      %select_n3A_743 = arith.select %and3A_740, %sub3A_742, %div3A_721 : i32
      %jit3A_744 = arith.constant 4096 : i32
      %eq3A_745 = arith.constant 0 : i32
      %eq3A_746 = arith.cmpi eq, %jit3A_744, %eq3A_745 : i32
      %jit3A_747 = arith.constant 1 : i32
      %select_n3A_748 = arith.select %eq3A_746, %jit3A_747, %jit3A_744 : i32
      %rem3A_749 = arith.remsi %add3A_719, %select_n3A_748 : i32
      %ne3A_750 = arith.constant 0 : i32
      %ne3A_751 = arith.cmpi ne, %rem3A_749, %ne3A_750 : i32
      %lt3A_752 = arith.constant 0 : i32
      %lt3A_753 = arith.cmpi slt, %rem3A_749, %lt3A_752 : i32
      %lt3A_754 = arith.constant 0 : i32
      %lt3A_755 = arith.cmpi slt, %select_n3A_748, %lt3A_754 : i32
      %ne3A_756 = arith.xori %lt3A_753, %lt3A_755 : i1
      %and3A_757 = arith.andi %ne3A_756, %ne3A_751 : i1
      %add3A_758 = arith.addi %rem3A_749, %select_n3A_748 : i32
      %select_n3A_759 = arith.select %and3A_757, %add3A_758, %rem3A_749 : i32
      %multiple_of3A_760 = tpu.assume_multiple %select_n3A_759, 256 : i32
      %dma_wait3A_761 = arith.constant 0 : i32
      %dma_wait3A_762 = tpu.memref_slice %arg4[%select_n3A_743, %multiple_of3A_760, %dma_wait3A_761] : memref<50x4096x128xf32, #tpu.memory_space<hbm>> -> memref<1x256x128xf32, #tpu.memory_space<hbm>>
      %dma_wait3A_763 = tpu.memref_squeeze %dma_wait3A_762 : memref<1x256x128xf32, #tpu.memory_space<hbm>> -> memref<256x128xf32, #tpu.memory_space<hbm>>
      %dma_wait3A_764 = arith.constant 0 : i32
      %dma_wait3A_765 = tpu.memref_slice %arg4[%select_n3A_743, %multiple_of3A_760, %dma_wait3A_764] : memref<50x4096x128xf32, #tpu.memory_space<hbm>> -> memref<1x256x128xf32, #tpu.memory_space<hbm>>
      %dma_wait3A_766 = tpu.memref_squeeze %dma_wait3A_765 : memref<1x256x128xf32, #tpu.memory_space<hbm>> -> memref<256x128xf32, #tpu.memory_space<hbm>>
      tpu.wait_dma2 semaphore(%arg12 : memref<!tpu.dma_semaphore, #tpu.memory_space<semaphore_mem>>) src(%arg7 : memref<256x128xf32, #tpu.memory_space<vmem>>) dst(%dma_wait3A_766 : memref<256x128xf32, #tpu.memory_space<hbm>>)
      %add3A_767 = arith.constant 2 : i32
      %add3A_768 = arith.addi %add3A_690, %add3A_767 : i32
      %mul3A_769 = arith.constant 256 : i32
      %mul3A_770 = arith.muli %add3A_768, %mul3A_769 : i32
      %add3A_771 = arith.constant 0 : i32
      %add3A_772 = arith.addi %mul3A_770, %add3A_771 : i32
      %multiple_of3A_773 = tpu.assume_multiple %add3A_772, 8 : i32
      %dma_start3A_774 = arith.constant 0 : i32
      %dma_start3A_775 = arith.constant 0 : i32
      %dma_start3A_776 = tpu.memref_slice %arg7[%dma_start3A_774, %dma_start3A_775] : memref<256x128xf32, #tpu.memory_space<vmem>> -> memref<128x128xf32, #tpu.memory_space<vmem>>
      %dma_start3A_777 = tpu.memref_slice %arg5[%multiple_of3A_773] : memref<6400xi32, #tpu.memory_space<vmem>> -> memref<128xi32, #tpu.memory_space<vmem>>
      %dma_start3A_778 = arith.constant 0 : i32
      %dma_start3A_779 = arith.constant 0 : i32
      %dma_start3A_780 = tpu.memref_slice %arg3[%dma_start3A_778, %dma_start3A_779] : memref<100000x128xf32, #tpu.memory_space<hbm>> -> memref<100000x128xf32, #tpu.memory_space<hbm>>
      tpu.enqueue_indirect_dma source(%dma_start3A_780 : memref<100000x128xf32, #tpu.memory_space<hbm>>) target(%dma_start3A_776 : memref<128x128xf32, #tpu.memory_space<vmem>>) offsets(%dma_start3A_777 : memref<128xi32, #tpu.memory_space<vmem>>) semaphore(%arg10 : memref<!tpu.dma_semaphore, #tpu.memory_space<semaphore_mem>>)
      %mul3A_781 = arith.constant 256 : i32
      %mul3A_782 = arith.muli %add3A_768, %mul3A_781 : i32
      %add3A_783 = arith.constant 128 : i32
      %add3A_784 = arith.addi %mul3A_782, %add3A_783 : i32
      %multiple_of3A_785 = tpu.assume_multiple %add3A_784, 8 : i32
      %dma_start3A_786 = arith.constant 128 : i32
      %dma_start3A_787 = arith.constant 0 : i32
      %dma_start3A_788 = tpu.memref_slice %arg7[%dma_start3A_786, %dma_start3A_787] : memref<256x128xf32, #tpu.memory_space<vmem>> -> memref<128x128xf32, #tpu.memory_space<vmem>>
      %dma_start3A_789 = tpu.memref_slice %arg5[%multiple_of3A_785] : memref<6400xi32, #tpu.memory_space<vmem>> -> memref<128xi32, #tpu.memory_space<vmem>>
      %dma_start3A_790 = arith.constant 0 : i32
      %dma_start3A_791 = arith.constant 0 : i32
      %dma_start3A_792 = tpu.memref_slice %arg3[%dma_start3A_790, %dma_start3A_791] : memref<100000x128xf32, #tpu.memory_space<hbm>> -> memref<100000x128xf32, #tpu.memory_space<hbm>>
      tpu.enqueue_indirect_dma source(%dma_start3A_792 : memref<100000x128xf32, #tpu.memory_space<hbm>>) target(%dma_start3A_788 : memref<128x128xf32, #tpu.memory_space<vmem>>) offsets(%dma_start3A_789 : memref<128xi32, #tpu.memory_space<vmem>>) semaphore(%arg10 : memref<!tpu.dma_semaphore, #tpu.memory_space<semaphore_mem>>)
      %mul3A_793 = arith.constant 256 : i32
      %mul3A_794 = arith.muli %add3A_690, %mul3A_793 : i32
      %add3A_795 = arith.addi %multiple_of3A, %mul3A_794 : i32
      %jit3A_796 = arith.constant 4096 : i32
      %div3A_797 = arith.divsi %add3A_795, %jit3A_796 : i32
      %sign3A_798 = arith.constant 0 : i32
      %sign3A_799 = arith.cmpi sgt, %add3A_795, %sign3A_798 : i32
      %sign3A_800 = arith.extui %sign3A_799 : i1 to i32
      %sign3A_801 = arith.constant 0 : i32
      %sign3A_802 = arith.cmpi slt, %add3A_795, %sign3A_801 : i32
      %sign3A_803 = arith.extui %sign3A_802 : i1 to i32
      %sign3A_804 = arith.subi %sign3A_800, %sign3A_803 : i32
      %sign3A_805 = arith.constant 0 : i32
      %sign3A_806 = arith.cmpi sgt, %jit3A_796, %sign3A_805 : i32
      %sign3A_807 = arith.extui %sign3A_806 : i1 to i32
      %sign3A_808 = arith.constant 0 : i32
      %sign3A_809 = arith.cmpi slt, %jit3A_796, %sign3A_808 : i32
      %sign3A_810 = arith.extui %sign3A_809 : i1 to i32
      %sign3A_811 = arith.subi %sign3A_807, %sign3A_810 : i32
      %ne3A_812 = arith.cmpi ne, %sign3A_804, %sign3A_811 : i32
      %rem3A_813 = arith.remsi %add3A_795, %jit3A_796 : i32
      %ne3A_814 = arith.constant 0 : i32
      %ne3A_815 = arith.cmpi ne, %rem3A_813, %ne3A_814 : i32
      %and3A_816 = arith.andi %ne3A_812, %ne3A_815 : i1
      %sub3A_817 = arith.constant 1 : i32
      %sub3A_818 = arith.subi %div3A_797, %sub3A_817 : i32
      %select_n3A_819 = arith.select %and3A_816, %sub3A_818, %div3A_797 : i32
      %jit3A_820 = arith.constant 4096 : i32
      %eq3A_821 = arith.constant 0 : i32
      %eq3A_822 = arith.cmpi eq, %jit3A_820, %eq3A_821 : i32
      %jit3A_823 = arith.constant 1 : i32
      %select_n3A_824 = arith.select %eq3A_822, %jit3A_823, %jit3A_820 : i32
      %rem3A_825 = arith.remsi %add3A_795, %select_n3A_824 : i32
      %ne3A_826 = arith.constant 0 : i32
      %ne3A_827 = arith.cmpi ne, %rem3A_825, %ne3A_826 : i32
      %lt3A_828 = arith.constant 0 : i32
      %lt3A_829 = arith.cmpi slt, %rem3A_825, %lt3A_828 : i32
      %lt3A_830 = arith.constant 0 : i32
      %lt3A_831 = arith.cmpi slt, %select_n3A_824, %lt3A_830 : i32
      %ne3A_832 = arith.xori %lt3A_829, %lt3A_831 : i1
      %and3A_833 = arith.andi %ne3A_832, %ne3A_827 : i1
      %add3A_834 = arith.addi %rem3A_825, %select_n3A_824 : i32
      %select_n3A_835 = arith.select %and3A_833, %add3A_834, %rem3A_825 : i32
      %multiple_of3A_836 = tpu.assume_multiple %select_n3A_835, 256 : i32
      %dma_start3A_837 = arith.constant 0 : i32
      %dma_start3A_838 = tpu.memref_slice %arg4[%select_n3A_819, %multiple_of3A_836, %dma_start3A_837] : memref<50x4096x128xf32, #tpu.memory_space<hbm>> -> memref<1x256x128xf32, #tpu.memory_space<hbm>>
      %dma_start3A_839 = tpu.memref_squeeze %dma_start3A_838 : memref<1x256x128xf32, #tpu.memory_space<hbm>> -> memref<256x128xf32, #tpu.memory_space<hbm>>
      %dma_start3A_840 = arith.constant 0 : i32
      %dma_start3A_841 = tpu.memref_slice %arg4[%select_n3A_819, %multiple_of3A_836, %dma_start3A_840] : memref<50x4096x128xf32, #tpu.memory_space<hbm>> -> memref<1x256x128xf32, #tpu.memory_space<hbm>>
      %dma_start3A_842 = tpu.memref_squeeze %dma_start3A_841 : memref<1x256x128xf32, #tpu.memory_space<hbm>> -> memref<256x128xf32, #tpu.memory_space<hbm>>
      tpu.enqueue_dma source(%arg8 : memref<256x128xf32, #tpu.memory_space<vmem>>) target(%dma_start3A_842 : memref<256x128xf32, #tpu.memory_space<hbm>>) target_semaphore(%arg12 : memref<!tpu.dma_semaphore, #tpu.memory_space<semaphore_mem>>)
      %add3A_843 = arith.constant 2 : i32
      %add3A_844 = arith.addi %add3A_536, %add3A_843 : i32
      %mul3A_845 = arith.constant 256 : i32
      %mul3A_846 = arith.muli %add3A_844, %mul3A_845 : i32
      %add3A_847 = arith.constant 0 : i32
      %add3A_848 = arith.addi %mul3A_846, %add3A_847 : i32
      %multiple_of3A_849 = tpu.assume_multiple %add3A_848, 8 : i32
      %dma_wait3A_850 = arith.constant 0 : i32
      %dma_wait3A_851 = arith.constant 0 : i32
      %dma_wait3A_852 = tpu.memref_slice %arg6[%dma_wait3A_850, %dma_wait3A_851] : memref<256x128xf32, #tpu.memory_space<vmem>> -> memref<128x128xf32, #tpu.memory_space<vmem>>
      %dma_wait3A_853 = tpu.memref_slice %arg5[%multiple_of3A_849] : memref<6400xi32, #tpu.memory_space<vmem>> -> memref<128xi32, #tpu.memory_space<vmem>>
      %dma_wait3A_854 = arith.constant 0 : i32
      %dma_wait3A_855 = arith.constant 0 : i32
      %dma_wait3A_856 = tpu.memref_slice %arg3[%dma_wait3A_854, %dma_wait3A_855] : memref<100000x128xf32, #tpu.memory_space<hbm>> -> memref<100000x128xf32, #tpu.memory_space<hbm>>
      tpu.wait_indirect_dma semaphore(%arg9 : memref<!tpu.dma_semaphore, #tpu.memory_space<semaphore_mem>>) src(%dma_wait3A_856 : memref<100000x128xf32, #tpu.memory_space<hbm>>) dst(%dma_wait3A_852 : memref<128x128xf32, #tpu.memory_space<vmem>>)
      %mul3A_857 = arith.constant 256 : i32
      %mul3A_858 = arith.muli %add3A_844, %mul3A_857 : i32
      %add3A_859 = arith.constant 128 : i32
      %add3A_860 = arith.addi %mul3A_858, %add3A_859 : i32
      %multiple_of3A_861 = tpu.assume_multiple %add3A_860, 8 : i32
      %dma_wait3A_862 = arith.constant 128 : i32
      %dma_wait3A_863 = arith.constant 0 : i32
      %dma_wait3A_864 = tpu.memref_slice %arg6[%dma_wait3A_862, %dma_wait3A_863] : memref<256x128xf32, #tpu.memory_space<vmem>> -> memref<128x128xf32, #tpu.memory_space<vmem>>
      %dma_wait3A_865 = tpu.memref_slice %arg5[%multiple_of3A_861] : memref<6400xi32, #tpu.memory_space<vmem>> -> memref<128xi32, #tpu.memory_space<vmem>>
      %dma_wait3A_866 = arith.constant 0 : i32
      %dma_wait3A_867 = arith.constant 0 : i32
      %dma_wait3A_868 = tpu.memref_slice %arg3[%dma_wait3A_866, %dma_wait3A_867] : memref<100000x128xf32, #tpu.memory_space<hbm>> -> memref<100000x128xf32, #tpu.memory_space<hbm>>
      tpu.wait_indirect_dma semaphore(%arg9 : memref<!tpu.dma_semaphore, #tpu.memory_space<semaphore_mem>>) src(%dma_wait3A_868 : memref<100000x128xf32, #tpu.memory_space<hbm>>) dst(%dma_wait3A_864 : memref<128x128xf32, #tpu.memory_space<vmem>>)
      %sub3A_869 = arith.constant 1 : i32
      %sub3A_870 = arith.subi %add3A_844, %sub3A_869 : i32
      %mul3A_871 = arith.constant 256 : i32
      %mul3A_872 = arith.muli %sub3A_870, %mul3A_871 : i32
      %add3A_873 = arith.addi %multiple_of3A, %mul3A_872 : i32
      %jit3A_874 = arith.constant 4096 : i32
      %div3A_875 = arith.divsi %add3A_873, %jit3A_874 : i32
      %sign3A_876 = arith.constant 0 : i32
      %sign3A_877 = arith.cmpi sgt, %add3A_873, %sign3A_876 : i32
      %sign3A_878 = arith.extui %sign3A_877 : i1 to i32
      %sign3A_879 = arith.constant 0 : i32
      %sign3A_880 = arith.cmpi slt, %add3A_873, %sign3A_879 : i32
      %sign3A_881 = arith.extui %sign3A_880 : i1 to i32
      %sign3A_882 = arith.subi %sign3A_878, %sign3A_881 : i32
      %sign3A_883 = arith.constant 0 : i32
      %sign3A_884 = arith.cmpi sgt, %jit3A_874, %sign3A_883 : i32
      %sign3A_885 = arith.extui %sign3A_884 : i1 to i32
      %sign3A_886 = arith.constant 0 : i32
      %sign3A_887 = arith.cmpi slt, %jit3A_874, %sign3A_886 : i32
      %sign3A_888 = arith.extui %sign3A_887 : i1 to i32
      %sign3A_889 = arith.subi %sign3A_885, %sign3A_888 : i32
      %ne3A_890 = arith.cmpi ne, %sign3A_882, %sign3A_889 : i32
      %rem3A_891 = arith.remsi %add3A_873, %jit3A_874 : i32
      %ne3A_892 = arith.constant 0 : i32
      %ne3A_893 = arith.cmpi ne, %rem3A_891, %ne3A_892 : i32
      %and3A_894 = arith.andi %ne3A_890, %ne3A_893 : i1
      %sub3A_895 = arith.constant 1 : i32
      %sub3A_896 = arith.subi %div3A_875, %sub3A_895 : i32
      %select_n3A_897 = arith.select %and3A_894, %sub3A_896, %div3A_875 : i32
      %jit3A_898 = arith.constant 4096 : i32
      %eq3A_899 = arith.constant 0 : i32
      %eq3A_900 = arith.cmpi eq, %jit3A_898, %eq3A_899 : i32
      %jit3A_901 = arith.constant 1 : i32
      %select_n3A_902 = arith.select %eq3A_900, %jit3A_901, %jit3A_898 : i32
      %rem3A_903 = arith.remsi %add3A_873, %select_n3A_902 : i32
      %ne3A_904 = arith.constant 0 : i32
      %ne3A_905 = arith.cmpi ne, %rem3A_903, %ne3A_904 : i32
      %lt3A_906 = arith.constant 0 : i32
      %lt3A_907 = arith.cmpi slt, %rem3A_903, %lt3A_906 : i32
      %lt3A_908 = arith.constant 0 : i32
      %lt3A_909 = arith.cmpi slt, %select_n3A_902, %lt3A_908 : i32
      %ne3A_910 = arith.xori %lt3A_907, %lt3A_909 : i1
      %and3A_911 = arith.andi %ne3A_910, %ne3A_905 : i1
      %add3A_912 = arith.addi %rem3A_903, %select_n3A_902 : i32
      %select_n3A_913 = arith.select %and3A_911, %add3A_912, %rem3A_903 : i32
      %multiple_of3A_914 = tpu.assume_multiple %select_n3A_913, 256 : i32
      %dma_wait3A_915 = arith.constant 0 : i32
      %dma_wait3A_916 = tpu.memref_slice %arg4[%select_n3A_897, %multiple_of3A_914, %dma_wait3A_915] : memref<50x4096x128xf32, #tpu.memory_space<hbm>> -> memref<1x256x128xf32, #tpu.memory_space<hbm>>
      %dma_wait3A_917 = tpu.memref_squeeze %dma_wait3A_916 : memref<1x256x128xf32, #tpu.memory_space<hbm>> -> memref<256x128xf32, #tpu.memory_space<hbm>>
      %dma_wait3A_918 = arith.constant 0 : i32
      %dma_wait3A_919 = tpu.memref_slice %arg4[%select_n3A_897, %multiple_of3A_914, %dma_wait3A_918] : memref<50x4096x128xf32, #tpu.memory_space<hbm>> -> memref<1x256x128xf32, #tpu.memory_space<hbm>>
      %dma_wait3A_920 = tpu.memref_squeeze %dma_wait3A_919 : memref<1x256x128xf32, #tpu.memory_space<hbm>> -> memref<256x128xf32, #tpu.memory_space<hbm>>
      tpu.wait_dma2 semaphore(%arg12 : memref<!tpu.dma_semaphore, #tpu.memory_space<semaphore_mem>>) src(%arg8 : memref<256x128xf32, #tpu.memory_space<vmem>>) dst(%dma_wait3A_920 : memref<256x128xf32, #tpu.memory_space<hbm>>)
      %add3A_921 = arith.constant 2 : i32
      %add3A_922 = arith.addi %add3A_844, %add3A_921 : i32
      %mul3A_923 = arith.constant 256 : i32
      %mul3A_924 = arith.muli %add3A_922, %mul3A_923 : i32
      %add3A_925 = arith.constant 0 : i32
      %add3A_926 = arith.addi %mul3A_924, %add3A_925 : i32
      %multiple_of3A_927 = tpu.assume_multiple %add3A_926, 8 : i32
      %dma_start3A_928 = arith.constant 0 : i32
      %dma_start3A_929 = arith.constant 0 : i32
      %dma_start3A_930 = tpu.memref_slice %arg8[%dma_start3A_928, %dma_start3A_929] : memref<256x128xf32, #tpu.memory_space<vmem>> -> memref<128x128xf32, #tpu.memory_space<vmem>>
      %dma_start3A_931 = tpu.memref_slice %arg5[%multiple_of3A_927] : memref<6400xi32, #tpu.memory_space<vmem>> -> memref<128xi32, #tpu.memory_space<vmem>>
      %dma_start3A_932 = arith.constant 0 : i32
      %dma_start3A_933 = arith.constant 0 : i32
      %dma_start3A_934 = tpu.memref_slice %arg3[%dma_start3A_932, %dma_start3A_933] : memref<100000x128xf32, #tpu.memory_space<hbm>> -> memref<100000x128xf32, #tpu.memory_space<hbm>>
      tpu.enqueue_indirect_dma source(%dma_start3A_934 : memref<100000x128xf32, #tpu.memory_space<hbm>>) target(%dma_start3A_930 : memref<128x128xf32, #tpu.memory_space<vmem>>) offsets(%dma_start3A_931 : memref<128xi32, #tpu.memory_space<vmem>>) semaphore(%arg11 : memref<!tpu.dma_semaphore, #tpu.memory_space<semaphore_mem>>)
      %mul3A_935 = arith.constant 256 : i32
      %mul3A_936 = arith.muli %add3A_922, %mul3A_935 : i32
      %add3A_937 = arith.constant 128 : i32
      %add3A_938 = arith.addi %mul3A_936, %add3A_937 : i32
      %multiple_of3A_939 = tpu.assume_multiple %add3A_938, 8 : i32
      %dma_start3A_940 = arith.constant 128 : i32
      %dma_start3A_941 = arith.constant 0 : i32
      %dma_start3A_942 = tpu.memref_slice %arg8[%dma_start3A_940, %dma_start3A_941] : memref<256x128xf32, #tpu.memory_space<vmem>> -> memref<128x128xf32, #tpu.memory_space<vmem>>
      %dma_start3A_943 = tpu.memref_slice %arg5[%multiple_of3A_939] : memref<6400xi32, #tpu.memory_space<vmem>> -> memref<128xi32, #tpu.memory_space<vmem>>
      %dma_start3A_944 = arith.constant 0 : i32
      %dma_start3A_945 = arith.constant 0 : i32
      %dma_start3A_946 = tpu.memref_slice %arg3[%dma_start3A_944, %dma_start3A_945] : memref<100000x128xf32, #tpu.memory_space<hbm>> -> memref<100000x128xf32, #tpu.memory_space<hbm>>
      tpu.enqueue_indirect_dma source(%dma_start3A_946 : memref<100000x128xf32, #tpu.memory_space<hbm>>) target(%dma_start3A_942 : memref<128x128xf32, #tpu.memory_space<vmem>>) offsets(%dma_start3A_943 : memref<128xi32, #tpu.memory_space<vmem>>) semaphore(%arg11 : memref<!tpu.dma_semaphore, #tpu.memory_space<semaphore_mem>>)
      %mul3A_947 = arith.constant 256 : i32
      %mul3A_948 = arith.muli %add3A_844, %mul3A_947 : i32
      %add3A_949 = arith.addi %multiple_of3A, %mul3A_948 : i32
      %jit3A_950 = arith.constant 4096 : i32
      %div3A_951 = arith.divsi %add3A_949, %jit3A_950 : i32
      %sign3A_952 = arith.constant 0 : i32
      %sign3A_953 = arith.cmpi sgt, %add3A_949, %sign3A_952 : i32
      %sign3A_954 = arith.extui %sign3A_953 : i1 to i32
      %sign3A_955 = arith.constant 0 : i32
      %sign3A_956 = arith.cmpi slt, %add3A_949, %sign3A_955 : i32
      %sign3A_957 = arith.extui %sign3A_956 : i1 to i32
      %sign3A_958 = arith.subi %sign3A_954, %sign3A_957 : i32
      %sign3A_959 = arith.constant 0 : i32
      %sign3A_960 = arith.cmpi sgt, %jit3A_950, %sign3A_959 : i32
      %sign3A_961 = arith.extui %sign3A_960 : i1 to i32
      %sign3A_962 = arith.constant 0 : i32
      %sign3A_963 = arith.cmpi slt, %jit3A_950, %sign3A_962 : i32
      %sign3A_964 = arith.extui %sign3A_963 : i1 to i32
      %sign3A_965 = arith.subi %sign3A_961, %sign3A_964 : i32
      %ne3A_966 = arith.cmpi ne, %sign3A_958, %sign3A_965 : i32
      %rem3A_967 = arith.remsi %add3A_949, %jit3A_950 : i32
      %ne3A_968 = arith.constant 0 : i32
      %ne3A_969 = arith.cmpi ne, %rem3A_967, %ne3A_968 : i32
      %and3A_970 = arith.andi %ne3A_966, %ne3A_969 : i1
      %sub3A_971 = arith.constant 1 : i32
      %sub3A_972 = arith.subi %div3A_951, %sub3A_971 : i32
      %select_n3A_973 = arith.select %and3A_970, %sub3A_972, %div3A_951 : i32
      %jit3A_974 = arith.constant 4096 : i32
      %eq3A_975 = arith.constant 0 : i32
      %eq3A_976 = arith.cmpi eq, %jit3A_974, %eq3A_975 : i32
      %jit3A_977 = arith.constant 1 : i32
      %select_n3A_978 = arith.select %eq3A_976, %jit3A_977, %jit3A_974 : i32
      %rem3A_979 = arith.remsi %add3A_949, %select_n3A_978 : i32
      %ne3A_980 = arith.constant 0 : i32
      %ne3A_981 = arith.cmpi ne, %rem3A_979, %ne3A_980 : i32
      %lt3A_982 = arith.constant 0 : i32
      %lt3A_983 = arith.cmpi slt, %rem3A_979, %lt3A_982 : i32
      %lt3A_984 = arith.constant 0 : i32
      %lt3A_985 = arith.cmpi slt, %select_n3A_978, %lt3A_984 : i32
      %ne3A_986 = arith.xori %lt3A_983, %lt3A_985 : i1
      %and3A_987 = arith.andi %ne3A_986, %ne3A_981 : i1
      %add3A_988 = arith.addi %rem3A_979, %select_n3A_978 : i32
      %select_n3A_989 = arith.select %and3A_987, %add3A_988, %rem3A_979 : i32
      %multiple_of3A_990 = tpu.assume_multiple %select_n3A_989, 256 : i32
      %dma_start3A_991 = arith.constant 0 : i32
      %dma_start3A_992 = tpu.memref_slice %arg4[%select_n3A_973, %multiple_of3A_990, %dma_start3A_991] : memref<50x4096x128xf32, #tpu.memory_space<hbm>> -> memref<1x256x128xf32, #tpu.memory_space<hbm>>
      %dma_start3A_993 = tpu.memref_squeeze %dma_start3A_992 : memref<1x256x128xf32, #tpu.memory_space<hbm>> -> memref<256x128xf32, #tpu.memory_space<hbm>>
      %dma_start3A_994 = arith.constant 0 : i32
      %dma_start3A_995 = tpu.memref_slice %arg4[%select_n3A_973, %multiple_of3A_990, %dma_start3A_994] : memref<50x4096x128xf32, #tpu.memory_space<hbm>> -> memref<1x256x128xf32, #tpu.memory_space<hbm>>
      %dma_start3A_996 = tpu.memref_squeeze %dma_start3A_995 : memref<1x256x128xf32, #tpu.memory_space<hbm>> -> memref<256x128xf32, #tpu.memory_space<hbm>>
      tpu.enqueue_dma source(%arg6 : memref<256x128xf32, #tpu.memory_space<vmem>>) target(%dma_start3A_996 : memref<256x128xf32, #tpu.memory_space<hbm>>) target_semaphore(%arg12 : memref<!tpu.dma_semaphore, #tpu.memory_space<semaphore_mem>>)
    }
    %scan3A_116 = arith.constant 7 : i32
    %multiple_of3A_117 = arith.constant 5632 : i32
    %multiple_of3A_118 = tpu.assume_multiple %multiple_of3A_117, 8 : i32
    %dma_wait3A_119 = arith.constant 0 : i32
    %dma_wait3A_120 = arith.constant 0 : i32
    %dma_wait3A_121 = tpu.memref_slice %arg7[%dma_wait3A_119, %dma_wait3A_120] : memref<256x128xf32, #tpu.memory_space<vmem>> -> memref<128x128xf32, #tpu.memory_space<vmem>>
    %dma_wait3A_122 = tpu.memref_slice %arg5[%multiple_of3A_118] : memref<6400xi32, #tpu.memory_space<vmem>> -> memref<128xi32, #tpu.memory_space<vmem>>
    %dma_wait3A_123 = arith.constant 0 : i32
    %dma_wait3A_124 = arith.constant 0 : i32
    %dma_wait3A_125 = tpu.memref_slice %arg3[%dma_wait3A_123, %dma_wait3A_124] : memref<100000x128xf32, #tpu.memory_space<hbm>> -> memref<100000x128xf32, #tpu.memory_space<hbm>>
    tpu.wait_indirect_dma semaphore(%arg10 : memref<!tpu.dma_semaphore, #tpu.memory_space<semaphore_mem>>) src(%dma_wait3A_125 : memref<100000x128xf32, #tpu.memory_space<hbm>>) dst(%dma_wait3A_121 : memref<128x128xf32, #tpu.memory_space<vmem>>)
    %multiple_of3A_126 = arith.constant 5760 : i32
    %multiple_of3A_127 = tpu.assume_multiple %multiple_of3A_126, 8 : i32
    %dma_wait3A_128 = arith.constant 128 : i32
    %dma_wait3A_129 = arith.constant 0 : i32
    %dma_wait3A_130 = tpu.memref_slice %arg7[%dma_wait3A_128, %dma_wait3A_129] : memref<256x128xf32, #tpu.memory_space<vmem>> -> memref<128x128xf32, #tpu.memory_space<vmem>>
    %dma_wait3A_131 = tpu.memref_slice %arg5[%multiple_of3A_127] : memref<6400xi32, #tpu.memory_space<vmem>> -> memref<128xi32, #tpu.memory_space<vmem>>
    %dma_wait3A_132 = arith.constant 0 : i32
    %dma_wait3A_133 = arith.constant 0 : i32
    %dma_wait3A_134 = tpu.memref_slice %arg3[%dma_wait3A_132, %dma_wait3A_133] : memref<100000x128xf32, #tpu.memory_space<hbm>> -> memref<100000x128xf32, #tpu.memory_space<hbm>>
    tpu.wait_indirect_dma semaphore(%arg10 : memref<!tpu.dma_semaphore, #tpu.memory_space<semaphore_mem>>) src(%dma_wait3A_134 : memref<100000x128xf32, #tpu.memory_space<hbm>>) dst(%dma_wait3A_130 : memref<128x128xf32, #tpu.memory_space<vmem>>)
    %add3A_135 = arith.constant 5376 : i32
    %add3A_136 = arith.addi %multiple_of3A, %add3A_135 : i32
    %jit3A_137 = arith.constant 4096 : i32
    %div3A_138 = arith.divsi %add3A_136, %jit3A_137 : i32
    %sign3A_139 = arith.constant 0 : i32
    %sign3A_140 = arith.cmpi sgt, %add3A_136, %sign3A_139 : i32
    %sign3A_141 = arith.extui %sign3A_140 : i1 to i32
    %sign3A_142 = arith.constant 0 : i32
    %sign3A_143 = arith.cmpi slt, %add3A_136, %sign3A_142 : i32
    %sign3A_144 = arith.extui %sign3A_143 : i1 to i32
    %sign3A_145 = arith.subi %sign3A_141, %sign3A_144 : i32
    %sign3A_146 = arith.constant 0 : i32
    %sign3A_147 = arith.cmpi sgt, %jit3A_137, %sign3A_146 : i32
    %sign3A_148 = arith.extui %sign3A_147 : i1 to i32
    %sign3A_149 = arith.constant 0 : i32
    %sign3A_150 = arith.cmpi slt, %jit3A_137, %sign3A_149 : i32
    %sign3A_151 = arith.extui %sign3A_150 : i1 to i32
    %sign3A_152 = arith.subi %sign3A_148, %sign3A_151 : i32
    %ne3A_153 = arith.cmpi ne, %sign3A_145, %sign3A_152 : i32
    %rem3A_154 = arith.remsi %add3A_136, %jit3A_137 : i32
    %ne3A_155 = arith.constant 0 : i32
    %ne3A_156 = arith.cmpi ne, %rem3A_154, %ne3A_155 : i32
    %and3A_157 = arith.andi %ne3A_153, %ne3A_156 : i1
    %sub3A_158 = arith.constant 1 : i32
    %sub3A_159 = arith.subi %div3A_138, %sub3A_158 : i32
    %select_n3A_160 = arith.select %and3A_157, %sub3A_159, %div3A_138 : i32
    %jit3A_161 = arith.constant 4096 : i32
    %eq3A_162 = arith.constant 0 : i32
    %eq3A_163 = arith.cmpi eq, %jit3A_161, %eq3A_162 : i32
    %jit3A_164 = arith.constant 1 : i32
    %select_n3A_165 = arith.select %eq3A_163, %jit3A_164, %jit3A_161 : i32
    %rem3A_166 = arith.remsi %add3A_136, %select_n3A_165 : i32
    %ne3A_167 = arith.constant 0 : i32
    %ne3A_168 = arith.cmpi ne, %rem3A_166, %ne3A_167 : i32
    %lt3A_169 = arith.constant 0 : i32
    %lt3A_170 = arith.cmpi slt, %rem3A_166, %lt3A_169 : i32
    %lt3A_171 = arith.constant 0 : i32
    %lt3A_172 = arith.cmpi slt, %select_n3A_165, %lt3A_171 : i32
    %ne3A_173 = arith.xori %lt3A_170, %lt3A_172 : i1
    %and3A_174 = arith.andi %ne3A_173, %ne3A_168 : i1
    %add3A_175 = arith.addi %rem3A_166, %select_n3A_165 : i32
    %select_n3A_176 = arith.select %and3A_174, %add3A_175, %rem3A_166 : i32
    %multiple_of3A_177 = tpu.assume_multiple %select_n3A_176, 256 : i32
    %dma_wait3A_178 = arith.constant 0 : i32
    %dma_wait3A_179 = tpu.memref_slice %arg4[%select_n3A_160, %multiple_of3A_177, %dma_wait3A_178] : memref<50x4096x128xf32, #tpu.memory_space<hbm>> -> memref<1x256x128xf32, #tpu.memory_space<hbm>>
    %dma_wait3A_180 = tpu.memref_squeeze %dma_wait3A_179 : memref<1x256x128xf32, #tpu.memory_space<hbm>> -> memref<256x128xf32, #tpu.memory_space<hbm>>
    %dma_wait3A_181 = arith.constant 0 : i32
    %dma_wait3A_182 = tpu.memref_slice %arg4[%select_n3A_160, %multiple_of3A_177, %dma_wait3A_181] : memref<50x4096x128xf32, #tpu.memory_space<hbm>> -> memref<1x256x128xf32, #tpu.memory_space<hbm>>
    %dma_wait3A_183 = tpu.memref_squeeze %dma_wait3A_182 : memref<1x256x128xf32, #tpu.memory_space<hbm>> -> memref<256x128xf32, #tpu.memory_space<hbm>>
    tpu.wait_dma2 semaphore(%arg12 : memref<!tpu.dma_semaphore, #tpu.memory_space<semaphore_mem>>) src(%arg6 : memref<256x128xf32, #tpu.memory_space<vmem>>) dst(%dma_wait3A_183 : memref<256x128xf32, #tpu.memory_space<hbm>>)
    %multiple_of3A_184 = arith.constant 6144 : i32
    %multiple_of3A_185 = tpu.assume_multiple %multiple_of3A_184, 8 : i32
    %dma_start3A_186 = arith.constant 0 : i32
    %dma_start3A_187 = arith.constant 0 : i32
    %dma_start3A_188 = tpu.memref_slice %arg6[%dma_start3A_186, %dma_start3A_187] : memref<256x128xf32, #tpu.memory_space<vmem>> -> memref<128x128xf32, #tpu.memory_space<vmem>>
    %dma_start3A_189 = tpu.memref_slice %arg5[%multiple_of3A_185] : memref<6400xi32, #tpu.memory_space<vmem>> -> memref<128xi32, #tpu.memory_space<vmem>>
    %dma_start3A_190 = arith.constant 0 : i32
    %dma_start3A_191 = arith.constant 0 : i32
    %dma_start3A_192 = tpu.memref_slice %arg3[%dma_start3A_190, %dma_start3A_191] : memref<100000x128xf32, #tpu.memory_space<hbm>> -> memref<100000x128xf32, #tpu.memory_space<hbm>>
    tpu.enqueue_indirect_dma source(%dma_start3A_192 : memref<100000x128xf32, #tpu.memory_space<hbm>>) target(%dma_start3A_188 : memref<128x128xf32, #tpu.memory_space<vmem>>) offsets(%dma_start3A_189 : memref<128xi32, #tpu.memory_space<vmem>>) semaphore(%arg9 : memref<!tpu.dma_semaphore, #tpu.memory_space<semaphore_mem>>)
    %multiple_of3A_193 = arith.constant 6272 : i32
    %multiple_of3A_194 = tpu.assume_multiple %multiple_of3A_193, 8 : i32
    %dma_start3A_195 = arith.constant 128 : i32
    %dma_start3A_196 = arith.constant 0 : i32
    %dma_start3A_197 = tpu.memref_slice %arg6[%dma_start3A_195, %dma_start3A_196] : memref<256x128xf32, #tpu.memory_space<vmem>> -> memref<128x128xf32, #tpu.memory_space<vmem>>
    %dma_start3A_198 = tpu.memref_slice %arg5[%multiple_of3A_194] : memref<6400xi32, #tpu.memory_space<vmem>> -> memref<128xi32, #tpu.memory_space<vmem>>
    %dma_start3A_199 = arith.constant 0 : i32
    %dma_start3A_200 = arith.constant 0 : i32
    %dma_start3A_201 = tpu.memref_slice %arg3[%dma_start3A_199, %dma_start3A_200] : memref<100000x128xf32, #tpu.memory_space<hbm>> -> memref<100000x128xf32, #tpu.memory_space<hbm>>
    tpu.enqueue_indirect_dma source(%dma_start3A_201 : memref<100000x128xf32, #tpu.memory_space<hbm>>) target(%dma_start3A_197 : memref<128x128xf32, #tpu.memory_space<vmem>>) offsets(%dma_start3A_198 : memref<128xi32, #tpu.memory_space<vmem>>) semaphore(%arg9 : memref<!tpu.dma_semaphore, #tpu.memory_space<semaphore_mem>>)
    %add3A_202 = arith.constant 5632 : i32
    %add3A_203 = arith.addi %multiple_of3A, %add3A_202 : i32
    %jit3A_204 = arith.constant 4096 : i32
    %div3A_205 = arith.divsi %add3A_203, %jit3A_204 : i32
    %sign3A_206 = arith.constant 0 : i32
    %sign3A_207 = arith.cmpi sgt, %add3A_203, %sign3A_206 : i32
    %sign3A_208 = arith.extui %sign3A_207 : i1 to i32
    %sign3A_209 = arith.constant 0 : i32
    %sign3A_210 = arith.cmpi slt, %add3A_203, %sign3A_209 : i32
    %sign3A_211 = arith.extui %sign3A_210 : i1 to i32
    %sign3A_212 = arith.subi %sign3A_208, %sign3A_211 : i32
    %sign3A_213 = arith.constant 0 : i32
    %sign3A_214 = arith.cmpi sgt, %jit3A_204, %sign3A_213 : i32
    %sign3A_215 = arith.extui %sign3A_214 : i1 to i32
    %sign3A_216 = arith.constant 0 : i32
    %sign3A_217 = arith.cmpi slt, %jit3A_204, %sign3A_216 : i32
    %sign3A_218 = arith.extui %sign3A_217 : i1 to i32
    %sign3A_219 = arith.subi %sign3A_215, %sign3A_218 : i32
    %ne3A_220 = arith.cmpi ne, %sign3A_212, %sign3A_219 : i32
    %rem3A_221 = arith.remsi %add3A_203, %jit3A_204 : i32
    %ne3A_222 = arith.constant 0 : i32
    %ne3A_223 = arith.cmpi ne, %rem3A_221, %ne3A_222 : i32
    %and3A_224 = arith.andi %ne3A_220, %ne3A_223 : i1
    %sub3A_225 = arith.constant 1 : i32
    %sub3A_226 = arith.subi %div3A_205, %sub3A_225 : i32
    %select_n3A_227 = arith.select %and3A_224, %sub3A_226, %div3A_205 : i32
    %jit3A_228 = arith.constant 4096 : i32
    %eq3A_229 = arith.constant 0 : i32
    %eq3A_230 = arith.cmpi eq, %jit3A_228, %eq3A_229 : i32
    %jit3A_231 = arith.constant 1 : i32
    %select_n3A_232 = arith.select %eq3A_230, %jit3A_231, %jit3A_228 : i32
    %rem3A_233 = arith.remsi %add3A_203, %select_n3A_232 : i32
    %ne3A_234 = arith.constant 0 : i32
    %ne3A_235 = arith.cmpi ne, %rem3A_233, %ne3A_234 : i32
    %lt3A_236 = arith.constant 0 : i32
    %lt3A_237 = arith.cmpi slt, %rem3A_233, %lt3A_236 : i32
    %lt3A_238 = arith.constant 0 : i32
    %lt3A_239 = arith.cmpi slt, %select_n3A_232, %lt3A_238 : i32
    %ne3A_240 = arith.xori %lt3A_237, %lt3A_239 : i1
    %and3A_241 = arith.andi %ne3A_240, %ne3A_235 : i1
    %add3A_242 = arith.addi %rem3A_233, %select_n3A_232 : i32
    %select_n3A_243 = arith.select %and3A_241, %add3A_242, %rem3A_233 : i32
    %multiple_of3A_244 = tpu.assume_multiple %select_n3A_243, 256 : i32
    %dma_start3A_245 = arith.constant 0 : i32
    %dma_start3A_246 = tpu.memref_slice %arg4[%select_n3A_227, %multiple_of3A_244, %dma_start3A_245] : memref<50x4096x128xf32, #tpu.memory_space<hbm>> -> memref<1x256x128xf32, #tpu.memory_space<hbm>>
    %dma_start3A_247 = tpu.memref_squeeze %dma_start3A_246 : memref<1x256x128xf32, #tpu.memory_space<hbm>> -> memref<256x128xf32, #tpu.memory_space<hbm>>
    %dma_start3A_248 = arith.constant 0 : i32
    %dma_start3A_249 = tpu.memref_slice %arg4[%select_n3A_227, %multiple_of3A_244, %dma_start3A_248] : memref<50x4096x128xf32, #tpu.memory_space<hbm>> -> memref<1x256x128xf32, #tpu.memory_space<hbm>>
    %dma_start3A_250 = tpu.memref_squeeze %dma_start3A_249 : memref<1x256x128xf32, #tpu.memory_space<hbm>> -> memref<256x128xf32, #tpu.memory_space<hbm>>
    tpu.enqueue_dma source(%arg7 : memref<256x128xf32, #tpu.memory_space<vmem>>) target(%dma_start3A_250 : memref<256x128xf32, #tpu.memory_space<hbm>>) target_semaphore(%arg12 : memref<!tpu.dma_semaphore, #tpu.memory_space<semaphore_mem>>)
    %multiple_of3A_251 = arith.constant 5888 : i32
    %multiple_of3A_252 = tpu.assume_multiple %multiple_of3A_251, 8 : i32
    %dma_wait3A_253 = arith.constant 0 : i32
    %dma_wait3A_254 = arith.constant 0 : i32
    %dma_wait3A_255 = tpu.memref_slice %arg8[%dma_wait3A_253, %dma_wait3A_254] : memref<256x128xf32, #tpu.memory_space<vmem>> -> memref<128x128xf32, #tpu.memory_space<vmem>>
    %dma_wait3A_256 = tpu.memref_slice %arg5[%multiple_of3A_252] : memref<6400xi32, #tpu.memory_space<vmem>> -> memref<128xi32, #tpu.memory_space<vmem>>
    %dma_wait3A_257 = arith.constant 0 : i32
    %dma_wait3A_258 = arith.constant 0 : i32
    %dma_wait3A_259 = tpu.memref_slice %arg3[%dma_wait3A_257, %dma_wait3A_258] : memref<100000x128xf32, #tpu.memory_space<hbm>> -> memref<100000x128xf32, #tpu.memory_space<hbm>>
    tpu.wait_indirect_dma semaphore(%arg11 : memref<!tpu.dma_semaphore, #tpu.memory_space<semaphore_mem>>) src(%dma_wait3A_259 : memref<100000x128xf32, #tpu.memory_space<hbm>>) dst(%dma_wait3A_255 : memref<128x128xf32, #tpu.memory_space<vmem>>)
    %multiple_of3A_260 = arith.constant 6016 : i32
    %multiple_of3A_261 = tpu.assume_multiple %multiple_of3A_260, 8 : i32
    %dma_wait3A_262 = arith.constant 128 : i32
    %dma_wait3A_263 = arith.constant 0 : i32
    %dma_wait3A_264 = tpu.memref_slice %arg8[%dma_wait3A_262, %dma_wait3A_263] : memref<256x128xf32, #tpu.memory_space<vmem>> -> memref<128x128xf32, #tpu.memory_space<vmem>>
    %dma_wait3A_265 = tpu.memref_slice %arg5[%multiple_of3A_261] : memref<6400xi32, #tpu.memory_space<vmem>> -> memref<128xi32, #tpu.memory_space<vmem>>
    %dma_wait3A_266 = arith.constant 0 : i32
    %dma_wait3A_267 = arith.constant 0 : i32
    %dma_wait3A_268 = tpu.memref_slice %arg3[%dma_wait3A_266, %dma_wait3A_267] : memref<100000x128xf32, #tpu.memory_space<hbm>> -> memref<100000x128xf32, #tpu.memory_space<hbm>>
    tpu.wait_indirect_dma semaphore(%arg11 : memref<!tpu.dma_semaphore, #tpu.memory_space<semaphore_mem>>) src(%dma_wait3A_268 : memref<100000x128xf32, #tpu.memory_space<hbm>>) dst(%dma_wait3A_264 : memref<128x128xf32, #tpu.memory_space<vmem>>)
    %add3A_269 = arith.constant 5632 : i32
    %add3A_270 = arith.addi %multiple_of3A, %add3A_269 : i32
    %jit3A_271 = arith.constant 4096 : i32
    %div3A_272 = arith.divsi %add3A_270, %jit3A_271 : i32
    %sign3A_273 = arith.constant 0 : i32
    %sign3A_274 = arith.cmpi sgt, %add3A_270, %sign3A_273 : i32
    %sign3A_275 = arith.extui %sign3A_274 : i1 to i32
    %sign3A_276 = arith.constant 0 : i32
    %sign3A_277 = arith.cmpi slt, %add3A_270, %sign3A_276 : i32
    %sign3A_278 = arith.extui %sign3A_277 : i1 to i32
    %sign3A_279 = arith.subi %sign3A_275, %sign3A_278 : i32
    %sign3A_280 = arith.constant 0 : i32
    %sign3A_281 = arith.cmpi sgt, %jit3A_271, %sign3A_280 : i32
    %sign3A_282 = arith.extui %sign3A_281 : i1 to i32
    %sign3A_283 = arith.constant 0 : i32
    %sign3A_284 = arith.cmpi slt, %jit3A_271, %sign3A_283 : i32
    %sign3A_285 = arith.extui %sign3A_284 : i1 to i32
    %sign3A_286 = arith.subi %sign3A_282, %sign3A_285 : i32
    %ne3A_287 = arith.cmpi ne, %sign3A_279, %sign3A_286 : i32
    %rem3A_288 = arith.remsi %add3A_270, %jit3A_271 : i32
    %ne3A_289 = arith.constant 0 : i32
    %ne3A_290 = arith.cmpi ne, %rem3A_288, %ne3A_289 : i32
    %and3A_291 = arith.andi %ne3A_287, %ne3A_290 : i1
    %sub3A_292 = arith.constant 1 : i32
    %sub3A_293 = arith.subi %div3A_272, %sub3A_292 : i32
    %select_n3A_294 = arith.select %and3A_291, %sub3A_293, %div3A_272 : i32
    %jit3A_295 = arith.constant 4096 : i32
    %eq3A_296 = arith.constant 0 : i32
    %eq3A_297 = arith.cmpi eq, %jit3A_295, %eq3A_296 : i32
    %jit3A_298 = arith.constant 1 : i32
    %select_n3A_299 = arith.select %eq3A_297, %jit3A_298, %jit3A_295 : i32
    %rem3A_300 = arith.remsi %add3A_270, %select_n3A_299 : i32
    %ne3A_301 = arith.constant 0 : i32
    %ne3A_302 = arith.cmpi ne, %rem3A_300, %ne3A_301 : i32
    %lt3A_303 = arith.constant 0 : i32
    %lt3A_304 = arith.cmpi slt, %rem3A_300, %lt3A_303 : i32
    %lt3A_305 = arith.constant 0 : i32
    %lt3A_306 = arith.cmpi slt, %select_n3A_299, %lt3A_305 : i32
    %ne3A_307 = arith.xori %lt3A_304, %lt3A_306 : i1
    %and3A_308 = arith.andi %ne3A_307, %ne3A_302 : i1
    %add3A_309 = arith.addi %rem3A_300, %select_n3A_299 : i32
    %select_n3A_310 = arith.select %and3A_308, %add3A_309, %rem3A_300 : i32
    %multiple_of3A_311 = tpu.assume_multiple %select_n3A_310, 256 : i32
    %dma_wait3A_312 = arith.constant 0 : i32
    %dma_wait3A_313 = tpu.memref_slice %arg4[%select_n3A_294, %multiple_of3A_311, %dma_wait3A_312] : memref<50x4096x128xf32, #tpu.memory_space<hbm>> -> memref<1x256x128xf32, #tpu.memory_space<hbm>>
    %dma_wait3A_314 = tpu.memref_squeeze %dma_wait3A_313 : memref<1x256x128xf32, #tpu.memory_space<hbm>> -> memref<256x128xf32, #tpu.memory_space<hbm>>
    %dma_wait3A_315 = arith.constant 0 : i32
    %dma_wait3A_316 = tpu.memref_slice %arg4[%select_n3A_294, %multiple_of3A_311, %dma_wait3A_315] : memref<50x4096x128xf32, #tpu.memory_space<hbm>> -> memref<1x256x128xf32, #tpu.memory_space<hbm>>
    %dma_wait3A_317 = tpu.memref_squeeze %dma_wait3A_316 : memref<1x256x128xf32, #tpu.memory_space<hbm>> -> memref<256x128xf32, #tpu.memory_space<hbm>>
    tpu.wait_dma2 semaphore(%arg12 : memref<!tpu.dma_semaphore, #tpu.memory_space<semaphore_mem>>) src(%arg7 : memref<256x128xf32, #tpu.memory_space<vmem>>) dst(%dma_wait3A_317 : memref<256x128xf32, #tpu.memory_space<hbm>>)
    %add3A_318 = arith.constant 5888 : i32
    %add3A_319 = arith.addi %multiple_of3A, %add3A_318 : i32
    %jit3A_320 = arith.constant 4096 : i32
    %div3A_321 = arith.divsi %add3A_319, %jit3A_320 : i32
    %sign3A_322 = arith.constant 0 : i32
    %sign3A_323 = arith.cmpi sgt, %add3A_319, %sign3A_322 : i32
    %sign3A_324 = arith.extui %sign3A_323 : i1 to i32
    %sign3A_325 = arith.constant 0 : i32
    %sign3A_326 = arith.cmpi slt, %add3A_319, %sign3A_325 : i32
    %sign3A_327 = arith.extui %sign3A_326 : i1 to i32
    %sign3A_328 = arith.subi %sign3A_324, %sign3A_327 : i32
    %sign3A_329 = arith.constant 0 : i32
    %sign3A_330 = arith.cmpi sgt, %jit3A_320, %sign3A_329 : i32
    %sign3A_331 = arith.extui %sign3A_330 : i1 to i32
    %sign3A_332 = arith.constant 0 : i32
    %sign3A_333 = arith.cmpi slt, %jit3A_320, %sign3A_332 : i32
    %sign3A_334 = arith.extui %sign3A_333 : i1 to i32
    %sign3A_335 = arith.subi %sign3A_331, %sign3A_334 : i32
    %ne3A_336 = arith.cmpi ne, %sign3A_328, %sign3A_335 : i32
    %rem3A_337 = arith.remsi %add3A_319, %jit3A_320 : i32
    %ne3A_338 = arith.constant 0 : i32
    %ne3A_339 = arith.cmpi ne, %rem3A_337, %ne3A_338 : i32
    %and3A_340 = arith.andi %ne3A_336, %ne3A_339 : i1
    %sub3A_341 = arith.constant 1 : i32
    %sub3A_342 = arith.subi %div3A_321, %sub3A_341 : i32
    %select_n3A_343 = arith.select %and3A_340, %sub3A_342, %div3A_321 : i32
    %jit3A_344 = arith.constant 4096 : i32
    %eq3A_345 = arith.constant 0 : i32
    %eq3A_346 = arith.cmpi eq, %jit3A_344, %eq3A_345 : i32
    %jit3A_347 = arith.constant 1 : i32
    %select_n3A_348 = arith.select %eq3A_346, %jit3A_347, %jit3A_344 : i32
    %rem3A_349 = arith.remsi %add3A_319, %select_n3A_348 : i32
    %ne3A_350 = arith.constant 0 : i32
    %ne3A_351 = arith.cmpi ne, %rem3A_349, %ne3A_350 : i32
    %lt3A_352 = arith.constant 0 : i32
    %lt3A_353 = arith.cmpi slt, %rem3A_349, %lt3A_352 : i32
    %lt3A_354 = arith.constant 0 : i32
    %lt3A_355 = arith.cmpi slt, %select_n3A_348, %lt3A_354 : i32
    %ne3A_356 = arith.xori %lt3A_353, %lt3A_355 : i1
    %and3A_357 = arith.andi %ne3A_356, %ne3A_351 : i1
    %add3A_358 = arith.addi %rem3A_349, %select_n3A_348 : i32
    %select_n3A_359 = arith.select %and3A_357, %add3A_358, %rem3A_349 : i32
    %multiple_of3A_360 = tpu.assume_multiple %select_n3A_359, 256 : i32
    %dma_start3A_361 = arith.constant 0 : i32
    %dma_start3A_362 = tpu.memref_slice %arg4[%select_n3A_343, %multiple_of3A_360, %dma_start3A_361] : memref<50x4096x128xf32, #tpu.memory_space<hbm>> -> memref<1x256x128xf32, #tpu.memory_space<hbm>>
    %dma_start3A_363 = tpu.memref_squeeze %dma_start3A_362 : memref<1x256x128xf32, #tpu.memory_space<hbm>> -> memref<256x128xf32, #tpu.memory_space<hbm>>
    %dma_start3A_364 = arith.constant 0 : i32
    %dma_start3A_365 = tpu.memref_slice %arg4[%select_n3A_343, %multiple_of3A_360, %dma_start3A_364] : memref<50x4096x128xf32, #tpu.memory_space<hbm>> -> memref<1x256x128xf32, #tpu.memory_space<hbm>>
    %dma_start3A_366 = tpu.memref_squeeze %dma_start3A_365 : memref<1x256x128xf32, #tpu.memory_space<hbm>> -> memref<256x128xf32, #tpu.memory_space<hbm>>
    tpu.enqueue_dma source(%arg8 : memref<256x128xf32, #tpu.memory_space<vmem>>) target(%dma_start3A_366 : memref<256x128xf32, #tpu.memory_space<hbm>>) target_semaphore(%arg12 : memref<!tpu.dma_semaphore, #tpu.memory_space<semaphore_mem>>)
    %multiple_of3A_367 = arith.constant 6144 : i32
    %multiple_of3A_368 = tpu.assume_multiple %multiple_of3A_367, 8 : i32
    %dma_wait3A_369 = arith.constant 0 : i32
    %dma_wait3A_370 = arith.constant 0 : i32
    %dma_wait3A_371 = tpu.memref_slice %arg6[%dma_wait3A_369, %dma_wait3A_370] : memref<256x128xf32, #tpu.memory_space<vmem>> -> memref<128x128xf32, #tpu.memory_space<vmem>>
    %dma_wait3A_372 = tpu.memref_slice %arg5[%multiple_of3A_368] : memref<6400xi32, #tpu.memory_space<vmem>> -> memref<128xi32, #tpu.memory_space<vmem>>
    %dma_wait3A_373 = arith.constant 0 : i32
    %dma_wait3A_374 = arith.constant 0 : i32
    %dma_wait3A_375 = tpu.memref_slice %arg3[%dma_wait3A_373, %dma_wait3A_374] : memref<100000x128xf32, #tpu.memory_space<hbm>> -> memref<100000x128xf32, #tpu.memory_space<hbm>>
    tpu.wait_indirect_dma semaphore(%arg9 : memref<!tpu.dma_semaphore, #tpu.memory_space<semaphore_mem>>) src(%dma_wait3A_375 : memref<100000x128xf32, #tpu.memory_space<hbm>>) dst(%dma_wait3A_371 : memref<128x128xf32, #tpu.memory_space<vmem>>)
    %multiple_of3A_376 = arith.constant 6272 : i32
    %multiple_of3A_377 = tpu.assume_multiple %multiple_of3A_376, 8 : i32
    %dma_wait3A_378 = arith.constant 128 : i32
    %dma_wait3A_379 = arith.constant 0 : i32
    %dma_wait3A_380 = tpu.memref_slice %arg6[%dma_wait3A_378, %dma_wait3A_379] : memref<256x128xf32, #tpu.memory_space<vmem>> -> memref<128x128xf32, #tpu.memory_space<vmem>>
    %dma_wait3A_381 = tpu.memref_slice %arg5[%multiple_of3A_377] : memref<6400xi32, #tpu.memory_space<vmem>> -> memref<128xi32, #tpu.memory_space<vmem>>
    %dma_wait3A_382 = arith.constant 0 : i32
    %dma_wait3A_383 = arith.constant 0 : i32
    %dma_wait3A_384 = tpu.memref_slice %arg3[%dma_wait3A_382, %dma_wait3A_383] : memref<100000x128xf32, #tpu.memory_space<hbm>> -> memref<100000x128xf32, #tpu.memory_space<hbm>>
    tpu.wait_indirect_dma semaphore(%arg9 : memref<!tpu.dma_semaphore, #tpu.memory_space<semaphore_mem>>) src(%dma_wait3A_384 : memref<100000x128xf32, #tpu.memory_space<hbm>>) dst(%dma_wait3A_380 : memref<128x128xf32, #tpu.memory_space<vmem>>)
    %add3A_385 = arith.constant 5888 : i32
    %add3A_386 = arith.addi %multiple_of3A, %add3A_385 : i32
    %jit3A_387 = arith.constant 4096 : i32
    %div3A_388 = arith.divsi %add3A_386, %jit3A_387 : i32
    %sign3A_389 = arith.constant 0 : i32
    %sign3A_390 = arith.cmpi sgt, %add3A_386, %sign3A_389 : i32
    %sign3A_391 = arith.extui %sign3A_390 : i1 to i32
    %sign3A_392 = arith.constant 0 : i32
    %sign3A_393 = arith.cmpi slt, %add3A_386, %sign3A_392 : i32
    %sign3A_394 = arith.extui %sign3A_393 : i1 to i32
    %sign3A_395 = arith.subi %sign3A_391, %sign3A_394 : i32
    %sign3A_396 = arith.constant 0 : i32
    %sign3A_397 = arith.cmpi sgt, %jit3A_387, %sign3A_396 : i32
    %sign3A_398 = arith.extui %sign3A_397 : i1 to i32
    %sign3A_399 = arith.constant 0 : i32
    %sign3A_400 = arith.cmpi slt, %jit3A_387, %sign3A_399 : i32
    %sign3A_401 = arith.extui %sign3A_400 : i1 to i32
    %sign3A_402 = arith.subi %sign3A_398, %sign3A_401 : i32
    %ne3A_403 = arith.cmpi ne, %sign3A_395, %sign3A_402 : i32
    %rem3A_404 = arith.remsi %add3A_386, %jit3A_387 : i32
    %ne3A_405 = arith.constant 0 : i32
    %ne3A_406 = arith.cmpi ne, %rem3A_404, %ne3A_405 : i32
    %and3A_407 = arith.andi %ne3A_403, %ne3A_406 : i1
    %sub3A_408 = arith.constant 1 : i32
    %sub3A_409 = arith.subi %div3A_388, %sub3A_408 : i32
    %select_n3A_410 = arith.select %and3A_407, %sub3A_409, %div3A_388 : i32
    %jit3A_411 = arith.constant 4096 : i32
    %eq3A_412 = arith.constant 0 : i32
    %eq3A_413 = arith.cmpi eq, %jit3A_411, %eq3A_412 : i32
    %jit3A_414 = arith.constant 1 : i32
    %select_n3A_415 = arith.select %eq3A_413, %jit3A_414, %jit3A_411 : i32
    %rem3A_416 = arith.remsi %add3A_386, %select_n3A_415 : i32
    %ne3A_417 = arith.constant 0 : i32
    %ne3A_418 = arith.cmpi ne, %rem3A_416, %ne3A_417 : i32
    %lt3A_419 = arith.constant 0 : i32
    %lt3A_420 = arith.cmpi slt, %rem3A_416, %lt3A_419 : i32
    %lt3A_421 = arith.constant 0 : i32
    %lt3A_422 = arith.cmpi slt, %select_n3A_415, %lt3A_421 : i32
    %ne3A_423 = arith.xori %lt3A_420, %lt3A_422 : i1
    %and3A_424 = arith.andi %ne3A_423, %ne3A_418 : i1
    %add3A_425 = arith.addi %rem3A_416, %select_n3A_415 : i32
    %select_n3A_426 = arith.select %and3A_424, %add3A_425, %rem3A_416 : i32
    %multiple_of3A_427 = tpu.assume_multiple %select_n3A_426, 256 : i32
    %dma_wait3A_428 = arith.constant 0 : i32
    %dma_wait3A_429 = tpu.memref_slice %arg4[%select_n3A_410, %multiple_of3A_427, %dma_wait3A_428] : memref<50x4096x128xf32, #tpu.memory_space<hbm>> -> memref<1x256x128xf32, #tpu.memory_space<hbm>>
    %dma_wait3A_430 = tpu.memref_squeeze %dma_wait3A_429 : memref<1x256x128xf32, #tpu.memory_space<hbm>> -> memref<256x128xf32, #tpu.memory_space<hbm>>
    %dma_wait3A_431 = arith.constant 0 : i32
    %dma_wait3A_432 = tpu.memref_slice %arg4[%select_n3A_410, %multiple_of3A_427, %dma_wait3A_431] : memref<50x4096x128xf32, #tpu.memory_space<hbm>> -> memref<1x256x128xf32, #tpu.memory_space<hbm>>
    %dma_wait3A_433 = tpu.memref_squeeze %dma_wait3A_432 : memref<1x256x128xf32, #tpu.memory_space<hbm>> -> memref<256x128xf32, #tpu.memory_space<hbm>>
    tpu.wait_dma2 semaphore(%arg12 : memref<!tpu.dma_semaphore, #tpu.memory_space<semaphore_mem>>) src(%arg8 : memref<256x128xf32, #tpu.memory_space<vmem>>) dst(%dma_wait3A_433 : memref<256x128xf32, #tpu.memory_space<hbm>>)
    %add3A_434 = arith.constant 6144 : i32
    %add3A_435 = arith.addi %multiple_of3A, %add3A_434 : i32
    %jit3A_436 = arith.constant 4096 : i32
    %div3A_437 = arith.divsi %add3A_435, %jit3A_436 : i32
    %sign3A_438 = arith.constant 0 : i32
    %sign3A_439 = arith.cmpi sgt, %add3A_435, %sign3A_438 : i32
    %sign3A_440 = arith.extui %sign3A_439 : i1 to i32
    %sign3A_441 = arith.constant 0 : i32
    %sign3A_442 = arith.cmpi slt, %add3A_435, %sign3A_441 : i32
    %sign3A_443 = arith.extui %sign3A_442 : i1 to i32
    %sign3A_444 = arith.subi %sign3A_440, %sign3A_443 : i32
    %sign3A_445 = arith.constant 0 : i32
    %sign3A_446 = arith.cmpi sgt, %jit3A_436, %sign3A_445 : i32
    %sign3A_447 = arith.extui %sign3A_446 : i1 to i32
    %sign3A_448 = arith.constant 0 : i32
    %sign3A_449 = arith.cmpi slt, %jit3A_436, %sign3A_448 : i32
    %sign3A_450 = arith.extui %sign3A_449 : i1 to i32
    %sign3A_451 = arith.subi %sign3A_447, %sign3A_450 : i32
    %ne3A_452 = arith.cmpi ne, %sign3A_444, %sign3A_451 : i32
    %rem3A_453 = arith.remsi %add3A_435, %jit3A_436 : i32
    %ne3A_454 = arith.constant 0 : i32
    %ne3A_455 = arith.cmpi ne, %rem3A_453, %ne3A_454 : i32
    %and3A_456 = arith.andi %ne3A_452, %ne3A_455 : i1
    %sub3A_457 = arith.constant 1 : i32
    %sub3A_458 = arith.subi %div3A_437, %sub3A_457 : i32
    %select_n3A_459 = arith.select %and3A_456, %sub3A_458, %div3A_437 : i32
    %jit3A_460 = arith.constant 4096 : i32
    %eq3A_461 = arith.constant 0 : i32
    %eq3A_462 = arith.cmpi eq, %jit3A_460, %eq3A_461 : i32
    %jit3A_463 = arith.constant 1 : i32
    %select_n3A_464 = arith.select %eq3A_462, %jit3A_463, %jit3A_460 : i32
    %rem3A_465 = arith.remsi %add3A_435, %select_n3A_464 : i32
    %ne3A_466 = arith.constant 0 : i32
    %ne3A_467 = arith.cmpi ne, %rem3A_465, %ne3A_466 : i32
    %lt3A_468 = arith.constant 0 : i32
    %lt3A_469 = arith.cmpi slt, %rem3A_465, %lt3A_468 : i32
    %lt3A_470 = arith.constant 0 : i32
    %lt3A_471 = arith.cmpi slt, %select_n3A_464, %lt3A_470 : i32
    %ne3A_472 = arith.xori %lt3A_469, %lt3A_471 : i1
    %and3A_473 = arith.andi %ne3A_472, %ne3A_467 : i1
    %add3A_474 = arith.addi %rem3A_465, %select_n3A_464 : i32
    %select_n3A_475 = arith.select %and3A_473, %add3A_474, %rem3A_465 : i32
    %multiple_of3A_476 = tpu.assume_multiple %select_n3A_475, 256 : i32
    %dma_start3A_477 = arith.constant 0 : i32
    %dma_start3A_478 = tpu.memref_slice %arg4[%select_n3A_459, %multiple_of3A_476, %dma_start3A_477] : memref<50x4096x128xf32, #tpu.memory_space<hbm>> -> memref<1x256x128xf32, #tpu.memory_space<hbm>>
    %dma_start3A_479 = tpu.memref_squeeze %dma_start3A_478 : memref<1x256x128xf32, #tpu.memory_space<hbm>> -> memref<256x128xf32, #tpu.memory_space<hbm>>
    %dma_start3A_480 = arith.constant 0 : i32
    %dma_start3A_481 = tpu.memref_slice %arg4[%select_n3A_459, %multiple_of3A_476, %dma_start3A_480] : memref<50x4096x128xf32, #tpu.memory_space<hbm>> -> memref<1x256x128xf32, #tpu.memory_space<hbm>>
    %dma_start3A_482 = tpu.memref_squeeze %dma_start3A_481 : memref<1x256x128xf32, #tpu.memory_space<hbm>> -> memref<256x128xf32, #tpu.memory_space<hbm>>
    tpu.enqueue_dma source(%arg6 : memref<256x128xf32, #tpu.memory_space<vmem>>) target(%dma_start3A_482 : memref<256x128xf32, #tpu.memory_space<hbm>>) target_semaphore(%arg12 : memref<!tpu.dma_semaphore, #tpu.memory_space<semaphore_mem>>)
    %add3A_483 = arith.constant 6144 : i32
    %add3A_484 = arith.addi %multiple_of3A, %add3A_483 : i32
    %jit3A_485 = arith.constant 4096 : i32
    %div3A_486 = arith.divsi %add3A_484, %jit3A_485 : i32
    %sign3A_487 = arith.constant 0 : i32
    %sign3A_488 = arith.cmpi sgt, %add3A_484, %sign3A_487 : i32
    %sign3A_489 = arith.extui %sign3A_488 : i1 to i32
    %sign3A_490 = arith.constant 0 : i32
    %sign3A_491 = arith.cmpi slt, %add3A_484, %sign3A_490 : i32
    %sign3A_492 = arith.extui %sign3A_491 : i1 to i32
    %sign3A_493 = arith.subi %sign3A_489, %sign3A_492 : i32
    %sign3A_494 = arith.constant 0 : i32
    %sign3A_495 = arith.cmpi sgt, %jit3A_485, %sign3A_494 : i32
    %sign3A_496 = arith.extui %sign3A_495 : i1 to i32
    %sign3A_497 = arith.constant 0 : i32
    %sign3A_498 = arith.cmpi slt, %jit3A_485, %sign3A_497 : i32
    %sign3A_499 = arith.extui %sign3A_498 : i1 to i32
    %sign3A_500 = arith.subi %sign3A_496, %sign3A_499 : i32
    %ne3A_501 = arith.cmpi ne, %sign3A_493, %sign3A_500 : i32
    %rem3A_502 = arith.remsi %add3A_484, %jit3A_485 : i32
    %ne3A_503 = arith.constant 0 : i32
    %ne3A_504 = arith.cmpi ne, %rem3A_502, %ne3A_503 : i32
    %and3A_505 = arith.andi %ne3A_501, %ne3A_504 : i1
    %sub3A_506 = arith.constant 1 : i32
    %sub3A_507 = arith.subi %div3A_486, %sub3A_506 : i32
    %select_n3A_508 = arith.select %and3A_505, %sub3A_507, %div3A_486 : i32
    %jit3A_509 = arith.constant 4096 : i32
    %eq3A_510 = arith.constant 0 : i32
    %eq3A_511 = arith.cmpi eq, %jit3A_509, %eq3A_510 : i32
    %jit3A_512 = arith.constant 1 : i32
    %select_n3A_513 = arith.select %eq3A_511, %jit3A_512, %jit3A_509 : i32
    %rem3A_514 = arith.remsi %add3A_484, %select_n3A_513 : i32
    %ne3A_515 = arith.constant 0 : i32
    %ne3A_516 = arith.cmpi ne, %rem3A_514, %ne3A_515 : i32
    %lt3A_517 = arith.constant 0 : i32
    %lt3A_518 = arith.cmpi slt, %rem3A_514, %lt3A_517 : i32
    %lt3A_519 = arith.constant 0 : i32
    %lt3A_520 = arith.cmpi slt, %select_n3A_513, %lt3A_519 : i32
    %ne3A_521 = arith.xori %lt3A_518, %lt3A_520 : i1
    %and3A_522 = arith.andi %ne3A_521, %ne3A_516 : i1
    %add3A_523 = arith.addi %rem3A_514, %select_n3A_513 : i32
    %select_n3A_524 = arith.select %and3A_522, %add3A_523, %rem3A_514 : i32
    %multiple_of3A_525 = tpu.assume_multiple %select_n3A_524, 256 : i32
    %dma_wait3A_526 = arith.constant 0 : i32
    %dma_wait3A_527 = tpu.memref_slice %arg4[%select_n3A_508, %multiple_of3A_525, %dma_wait3A_526] : memref<50x4096x128xf32, #tpu.memory_space<hbm>> -> memref<1x256x128xf32, #tpu.memory_space<hbm>>
    %dma_wait3A_528 = tpu.memref_squeeze %dma_wait3A_527 : memref<1x256x128xf32, #tpu.memory_space<hbm>> -> memref<256x128xf32, #tpu.memory_space<hbm>>
    %dma_wait3A_529 = arith.constant 0 : i32
    %dma_wait3A_530 = tpu.memref_slice %arg4[%select_n3A_508, %multiple_of3A_525, %dma_wait3A_529] : memref<50x4096x128xf32, #tpu.memory_space<hbm>> -> memref<1x256x128xf32, #tpu.memory_space<hbm>>
    %dma_wait3A_531 = tpu.memref_squeeze %dma_wait3A_530 : memref<1x256x128xf32, #tpu.memory_space<hbm>> -> memref<256x128xf32, #tpu.memory_space<hbm>>
    tpu.wait_dma2 semaphore(%arg12 : memref<!tpu.dma_semaphore, #tpu.memory_space<semaphore_mem>>) src(%arg6 : memref<256x128xf32, #tpu.memory_space<vmem>>) dst(%dma_wait3A_531 : memref<256x128xf32, #tpu.memory_space<hbm>>)
    return
  }
}

</mosaic_0001>

<sc_bundles>
// kernel: kernel.3.cloned.1.call-start
scs
__scs_entry_jumppad:
0x0: {  	(pc) =	sbr.rel $0x88, $3  }
0x1: {  	(tag) =	ssettag $0x0;
	lr =	simm.s32 $0x1  }
0x2: {  	[smem:$0x3F9F] =	sst lr;
	_ =	strace $0xD0000000  }
0x3: {  	_ = 	snop  }
0x4: {  	_ = 	snop  }
0x5: {  	_ = 	snop  }
0x6: {  	_ = 	snop  }
0x7: {  	_ = 	snop  }
__scs_overlays_trampoline_lowered:
0x8: {  	[smem:$0x3FAE] =	sst s0  }
0x9: {  	[smem:$0x3FAF] =	sst s1  }
0xa: {  	[smem:$0x3FB0] =	sst s2  }
0xb: {  	[smem:$0x3FB1] =	sst s3  }
0xc: {  	[smem:$0x3FB2] =	sst s4  }
0xd: {  	[smem:$0x3FB3] =	sst s5  }
0xe: {  	[smem:$0x3FB4] =	sst s6  }
0xf: {  	[smem:$0x3FB5] =	sst s7  }
0x10: {  	[smem:$0x3FB6] =	sst s8  }
0x11: {  	[smem:$0x3FB7] =	sst s9;
	s0 =	simm.s32 @!p0 $0x0  }
0x12: {  	s1 =	sld [smem:$0x3F9D];
	s0 =	simm.s32 @p0 $0x1  }
0x13: {  	[smem:$0x3FB8] =	sst s0;
	s0 =	simm.s32 @!p1 $0x0  }
0x14: {  	s2 =	sld [smem:$0x3F9C];
	s0 =	simm.s32 @p1 $0x1  }
0x15: {  	[smem:$0x3FB9] =	sst s0;
	s0 =	simm.s32 @!p2 $0x0  }
0x16: {  	s3 =	sld [smem:$0x3FDB];
	s0 =	simm.s32 @p2 $0x1  }
0x17: {  	s4 =	simm.s32 $0x1BF5;
	[smem:$0x3FBB] =	sst s0  }
0x18: {  	s0 =	sld [smem:$0x3F9E];
	_ =	swait.ge [sflag:s4], $0x0  }
0x19: {  	s7 =	sld [smem:$0x3F9F]  }
0x1a: {  	s8 =	sadd.s32 $0xFFFFE003, lr  }
0x1b: {  	s9 =	sadd.s32 $0xFFFFFEF7, lr;
	s5 =	simm.s32 $0xFFFFFFFF;
	p2 =	slt.u32 s8, $0xFFFFF086  }
0x1c: {  	p1 =	slt.u32 s9, $0xF7A;
	s5 =	simm.s32 @!p2 $0x0  }
0x1d: {  	s5 =	simm.s32 @p1 $0x1;
	p0 =	seq.s32 s7, s2  }
0x1e: {  	s7 =	smul.u32 @!p0 $0xF7A, s2;
	p2 =	seq.s32 @!p0 s5, $0x0  }
0x1f: {  	s9 =	smul.u32 $0xF7A, s1;
	s8 =	simm.s32 @!p0 $0x1BF5;
	p2 =	por !p2, p0  }
0x20: {  	[sflag:s8] =	ssyncset.s32 @!p0 $0xFFFFF086;
	s6 =	sadd.s32 @!p0 s3, s7;
	s7 =	simm.s32 @!p0 $0x108  }
0x21: {  	s3 =	sadd.s32 s3, s9;
	s6 =	sadd.s32 @!p0 $0x88, s6;
	s7 =	simm.s32 @p2 $0x1082  }
0x22: {  	[simem:s7], [sflag:s8] =	dma.local @!p0 [hbm:s6], $0xF7A  }
0x23: {  	s9 =	sor.u32 $0xD0000000, s2;
	s6 =	simm.s32 $0x108;
	_ =	swait.ge @!p0 [sflag:s8], $0x0  }
0x24: {  	s3 =	sadd.s32 $0x88, s3;
	s6 =	simm.s32 @!p1 $0x1082;
	[sflag:s4] =	ssyncset.s32 $0xFFFFF086  }
0x25: {  	[simem:s6], [sflag:s4] =	dma.local [hbm:s3], $0xF7A  }
0x26: {  	[smem:$0x3F9F] =	sst s1;
	(tag) =	ssettag s2;
	_ =	strace s9  }
0x27: {  	s1 =	sld [smem:$0x3FAF]  }
0x28: {  	s2 =	sld [smem:$0x3FB0]  }
0x29: {  	s4 =	sld [smem:$0x3FB2]  }
0x2a: {  	p0 =	seq.s32 s5, $0x0;
	s5 =	sld [smem:$0x3FB3]  }
0x2b: {  	s6 =	sld [smem:$0x3FB4]  }
0x2c: {  	s7 =	sld [smem:$0x3FB5]  }
0x2d: {  	s3 =	simm.s32 $0x108;
	s8 =	sld [smem:$0x3FB6]  }
0x2e: {  	s3 =	simm.s32 @!p0 $0x1082;
	s9 =	sld [smem:$0x3FB7]  }
0x2f: {  	lr =	sadd.s32 s0, s3;
	s0 =	sld [smem:$0x3FAE]  }
0x30: {  	s3 =	sld [smem:$0x3FB1]  }
0x31: {  	[smem:$0x3FBA] =	sst s10  }
0x32: {  	s10 =	sld [smem:$0x3FB8];
	_ =	sdelay $0x3  }
0x33: {  	p0 =	seq.s32 s10, $0x1;
	s10 =	sld [smem:$0x3FBA];
	_ =	sdelay $0x3  }
0x34: {  	[smem:$0x3FBA] =	sst s10  }
0x35: {  	s10 =	sld [smem:$0x3FB9];
	_ =	sdelay $0x3  }
0x36: {  	p1 =	seq.s32 s10, $0x1;
	s10 =	sld [smem:$0x3FBA];
	_ =	sdelay $0x3  }
0x37: {  	[smem:$0x3FBA] =	sst s10  }
0x38: {  	s10 =	sld [smem:$0x3FBB]  }
0x39: {  	_ = 	snop;
	(pc) =	sbr.ind lr, $3  }
0x3a: {  	_ = 	snop  }
0x3b: {  	_ = 	snop  }
0x3c: {  	p2 =	seq.s32 s10, $0x1;
	s10 =	sld [smem:$0x3FBA]  }
0x3d: {  	_ =	shalt  }
0x3e: {  	_ =	shalt  }
0x3f: {  	_ =	shalt  }
0x40: {  	_ =	shalt  }
0x41: {  	_ =	shalt  }
0x42: {  	_ =	shalt  }
0x43: {  	_ =	shalt  }
0x44: {  	_ =	shalt  }
0x45: {  	_ =	shalt  }
0x46: {  	_ =	shalt  }
0x47: {  	_ =	shalt  }
0x48: {  	_ =	shalt  }
0x49: {  	_ =	shalt  }
0x4a: {  	_ =	shalt  }
0x4b: {  	_ =	shalt  }
0x4c: {  	_ =	shalt  }
0x4d: {  	_ =	shalt  }
0x4e: {  	_ =	shalt  }
0x4f: {  	_ =	shalt  }
0x50: {  	_ =	shalt  }
0x51: {  	_ =	shalt  }
0x52: {  	_ =	shalt  }
0x53: {  	_ =	shalt  }
0x54: {  	_ =	shalt  }
0x55: {  	_ =	shalt  }
0x56: {  	_ =	shalt  }
0x57: {  	_ =	shalt  }
0x58: {  	_ =	shalt  }
0x59: {  	_ =	shalt  }
0x5a: {  	_ =	shalt  }
0x5b: {  	_ =	shalt  }
0x5c: {  	_ =	shalt  }
0x5d: {  	_ =	shalt  }
0x5e: {  	_ =	shalt  }
0x5f: {  	_ =	shalt  }
0x60: {  	_ =	shalt  }
0x61: {  	_ =	shalt  }
0x62: {  	_ =	shalt  }
0x63: {  	_ =	shalt  }
0x64: {  	_ =	shalt  }
0x65: {  	_ =	shalt  }
0x66: {  	_ =	shalt  }
0x67: {  	_ =	shalt  }
0x68: {  	_ =	shalt  }
0x69: {  	_ =	shalt  }
0x6a: {  	_ =	shalt  }
0x6b: {  	_ =	shalt  }
0x6c: {  	_ =	shalt  }
0x6d: {  	_ =	shalt  }
0x6e: {  	_ =	shalt  }
0x6f: {  	_ =	shalt  }
0x70: {  	_ =	shalt  }
0x71: {  	_ =	shalt  }
0x72: {  	_ =	shalt  }
0x73: {  	_ =	shalt  }
0x74: {  	_ =	shalt  }
0x75: {  	_ =	shalt  }
0x76: {  	_ =	shalt  }
0x77: {  	_ =	shalt  }
0x78: {  	_ =	shalt  }
0x79: {  	_ =	shalt  }
0x7a: {  	_ =	shalt  }
0x7b: {  	_ =	shalt  }
0x7c: {  	_ =	shalt  }
0x7d: {  	_ =	shalt  }
0x7e: {  	_ =	shalt  }
0x7f: {  	_ =	shalt  }
0x80: {  	_ =	shalt  }
0x81: {  	_ =	shalt  }
0x82: {  	_ =	shalt  }
0x83: {  	_ =	shalt  }
0x84: {  	_ =	shalt  }
0x85: {  	_ =	shalt  }
0x86: {  	_ =	shalt  }
0x87: {  	_ =	shalt  }
.Lfunc_end0:
.L_simem_size_0:
called_computation_lowered:
.L_overlay_start_0:
0x88: {  	s2 =	sld [smem:$0x3FD9]  }
0x89: {  	s3 =	sld [smem:$0x3FFE];
	_ =	sdelay $0x1  }
0x8a: {  	s1 =	srdreg.scid  }
0x8b: {  	s0 =	sand.u32 $0x1, s1  }
0x8c: {  	s17 =	sshll.u32 s0, $0xA;
	s2 =	sadd.s32 s3, s2  }
0x8d: {  	s2 =	sadd.s32 s2, s17  }
0x8e: {  	[smem:$0x3FC6] =	sst s2  }
0x8f: {  	_ = 	snop  }
0x90: {  	s2 =	sld [smem:$0x3FC8]  }
0x91: {  	s18 =	sld [smem:$0x3FD0];
	(tm) =	ssettm $0x1  }
0x92: {  	s4 =	sld [smem:$0x3FFB];
	_ =	sdelay $0x3  }
0x93: {  	_ =	strace s4  }
0x94: {  	s4 =	sld [smem:$0x3FFC];
	_ =	sdelay $0x3  }
0x95: {  	_ =	strace s4  }
0x96: {  	s4 =	sld [smem:$0x3FFD];
	_ =	sdelay $0x3  }
0x97: {  	_ =	strace s4  }
0x98: {  	_ =	strace $0x8FFFFFFF  }
0x99: {  	s19 =	sld [smem:$0x3FDB];
	_ =	sdelay $0x1  }
0x9a: {  	s5 =	simm.s32 $_scs_section_size  }
0x9b: {  	s6 =	simm.s32 $_size__tile_overlayer_lowered;
	s7 =	simm.s32 $_tile_overlayer_lowered  }
0x9c: {  	s22 =	simm.s32 $0x1BFF;
	s21 =	sshll.u32 s7, $0x1;
	s4 =	sadd.s32 s5, s19  }
0x9d: {  	s8 =	simm.s32 $0x0;
	s20 =	sshll.u32 s6, $0x1;
	s6 =	sadd.s32 s21, s4  }
0x9e: {  	[timem:s8], [sflag:s22] =	dma.local [hbm:s6], s20  }
0x9f: {  	_ =	swait.ge [sflag:s22], s20  }
0xa0: {  	s5 =	ssub.s32 $0x0, s20;
	[sflag:s22] =	ssyncset.done $0x0  }
0xa1: {  	[sflag:s22] =	ssyncadd.s32 s5;
	_ =	sdelay $0x1  }
0xa2: {  	s23 =	simm.s32 $0x1B8B  }
0xa3: {  	_ =	swait.ge [sflag:s23], $0x1  }
0xa4: {  	[sflag:s23] =	ssyncset.done $0x0  }
0xa5: {  	s25 =	simm.s32 $0x1B8E;
	s24 =	sld [smem:$0x3FFE];
	[sflag:s23] =	ssyncadd.s32 $0xFFFFFFFF  }
0xa6: {  	s26 =	simm.s32 $execute0_lowered;
	[smem:$0x3FD2] =	sst s25  }
0xa7: {  	s6 =	sshll.u32 s26, $0x1;
	_ =	strace $0x80000046;
	[dreg:$0x1] =	wrdreg $0xFFFFFFFF  }
0xa8: {  	s28 =	simm.s32 $_size_execute0_lowered;
	s4 =	sadd.s32 s4, s6;
	[dreg:$0x0] =	wrdreg $0x0  }
0xa9: {  	s6 =	sshll.u32 s28, $0x1;
	[dreg:$0x2] =	wrdreg s4  }
0xaa: {  	[dreg:$0x3] =	wrdreg s6  }
0xab: {  	[dreg:$0x4] =	wrdreg $0xC0  }
0xac: {  	_ =	task [dreg:s8], $0x5FFFF  }
0xad: {  	[dreg:$0x1] =	wrdreg $0xFFFFFFFF  }
0xae: {  	[dreg:$0x0] =	wrdreg $0x60  }
0xaf: {  	[dreg:$0x2] =	wrdreg s24  }
0xb0: {  	[dreg:$0x3] =	wrdreg s2  }
0xb1: {  	[dreg:$0x4] =	wrdreg s18  }
0xb2: {  	[dreg:$0x5] =	wrdreg $0x9  }
0xb3: {  	_ =	task.clear_ibuf [dreg:s8], $0x6FFFF;
	_ =	strace $0x90000046  }
0xb4: {  	s29 =	simm.s32 $0x9;
	_ =	strace $0x80000048  }
0xb5: {  	_ =	swait.ge [sflag:s29], $0x1  }
0xb6: {  	[sflag:s29] =	ssyncadd.s32 $0xFFFFFFFF  }
0xb7: {  	_ =	strace $0x90000048  }
0xb8: {  	_ =	sfence  }
0xb9: {  	s30 =	sld [smem:$0x0];
	_ =	sdelay $0x2  }
0xba: {  	s31 =	sshll.u32 s1, $0xD;
	s1 =	sshrl.u32 s1, $0x2  }
0xbb: {  	s3 =	sand.u32 $0x4000, s31;
	s1 =	sadd.s32 s1, s30  }
0xbc: {  	s0 =	sor.u32 s3, s0;
	s1 =	sshll.u32 s1, $0x11  }
0xbd: {  	s0 =	sor.u32 s1, s0  }
0xbe: {  	s0 =	sadd.s32 $0x8F2B, s0  }
0xbf: {  	[sflag:s0] =	ssyncadd.remote.s32 $0x1  }
0xc0: {  	_ =	sfence.sel $0xFFFF  }
0xc1: {  	[dreg:$0x0] =	wrdreg $0xFFFFFFFF;
	(pc) =	sbr.abs _section_cstart, $3  }
0xc2: {  	[dreg:$0x1] =	wrdreg $0xFFFFFFFF  }
0xc3: {  	_ =	task.clear_ibuf [dreg:s8], $0x2FFFF;
	_ =	strace $0x9FFFFFFF  }
0xc4: {  	(tm) =	ssettm $0x7FFFFFFF  }
0xc5: {  	_ =	shalt  }
tec
execute0_lowered:
.L_overlay_start_1:
0x0: {  	(tag) =	ssettag $0x1  }
0x1: {  	s0 =	rddreg [dreg:$0x0]  }
0x2: {  	s2 =	rddreg [dreg:$0x1]  }
0x3: {  	s1 =	srdreg.scid;
	s9 =	stileid.u32  }
0x4: {  	s8 =	rddreg [dreg:$0x2];
	s3 =	simm.s32 $0x0;
	s13 =	simm.s32 $0x5  }
0x5: {  	s14 =	simm.s32 $0x80;
	s15 =	simm.s32 $0x1900;
	s16 =	simm.s32 $0x5900  }
0x6: {  	s18 =	simm.s32 $0x9900;
	s20 =	simm.s32 $0xD900;
	s21 =	simm.s32 $0x1  }
0x7: {  	s23 =	simm.s32 $0x11900;
	s25 =	simm.s32 $0x15900;
	s28 =	simm.s32 $0x4  }
0x8: {  	s1 =	sand.u32 $0x1, s1;
	s4 =	sshll.u32 s9, $0x1;
	s9 =	smul.u32 $0x3200, s9  }
0x9: {  	s4 =	sor.u32 s1, s4;
	s7 =	ssub.s32 $0x2, s1;
	s1 =	smul.u32 $0x1900, s1  }
0xa: {  	s29 =	simm.s32 $0x3;
	[smem:$0x7FF] =	sst s3;
	s5 =	smul.u32 $0x1900, s4  }
0xb: {  	_ =	strace $0x80000047;
	s6 =	smul.u32 $0xC8000, s4;
	s26 =	sshrl.u32 s7, $0x1  }
0xc: {  	s4 =	smul.u32 $0x48000, s4;
	s12 =	ssub.s32 s7, s26;
	s1 =	sadd.s32 s1, s9  }
0xd: {  	s26 =	simm.s32 $0x2;
	s5 =	sshrl.u32 s5, $0x3;
	s10 =	sand.u32 $0x1F80000, s6  }
0xe: {  	s11 =	sand.u32 $0x78000, s4;
	s6 =	sshrl.u32 s6, $0x3;
	s1 =	sshll.u32 s1, $0x4  }
0xf: {  	s9 =	smax.u32 s12, $0x1;
	s0 =	sadd.s32 s5, s0;
	s30 =	sor.u32 s11, s10  }
0x10: {  	s31 =	sadd.s32 s8, s6;
	s1 =	sadd.s32 s8, s1;
	s4 =	sadd.s32 $0x400, s0  }
0x11: {  	s0 =	sshrl.u32 s30, $0x3;
	s6 =	sadd.s32 $0x16000, s31;
	s7 =	sadd.s32 $0x17000, s31  }
0x12: {  	s10 =	sadd.s32 $0x2000, s1;
	s11 =	sadd.s32 $0x1000, s1;
	s24 =	sadd.s32 $0x3000, s1  }
0x13: {  	s1 =	simm.s32 $0x0;
	s5 =	sadd.s32 s8, s0;
	s8 =	sadd.s32 $0x18000, s31  }
.LBB2_1:
0x14: {  	[tilespmem:s3], [sflag:$0x5] =	stream.linear.gather [hbm4b:s4+s3], $0x1900, $0x38;
	[tilespmem:$0x19900] =	vst v63  }
0x15: {  	_ =	swait.ge [sflag:s13], $0x1900  }
0x16: {  	[sflag:s13] =	ssyncset.done $0x0  }
0x17: {  	[sflag:s13] =	ssyncadd.s32 $0xFFFFE700  }
0x18: {  	[tilespmem:s15], [sflag:$0x1] =	stream.indirect.gather [hbm4b:s2+s14], $0x80, s3, s14, $0xb8;
	[tilespmem:$0x19900] =	vst v63  }
0x19: {  	_ = 	snop  }
0x1a: {  	[tilespmem:s16], [sflag:$0x1] =	stream.indirect.gather [hbm4b:s2+s14], $0x80, s14, s14, $0xb8;
	[tilespmem:$0x19900] =	vst v63  }
0x1b: {  	s0 =	simm.s32 $0x100  }
0x1c: {  	[tilespmem:s18], [sflag:$0x2] =	stream.indirect.gather [hbm4b:s2+s14], $0x80, s0, s14, $0xb8;
	[tilespmem:$0x19900] =	vst v63  }
0x1d: {  	s22 =	simm.s32 $0x180  }
0x1e: {  	[tilespmem:s20], [sflag:$0x2] =	stream.indirect.gather [hbm4b:s2+s14], $0x80, s22, s14, $0xb8;
	[tilespmem:$0x19900] =	vst v63  }
0x1f: {  	_ =	swait.ge [sflag:s21], $0x4000  }
0x20: {  	[sflag:s21] =	ssyncset.done $0x0  }
0x21: {  	[sflag:s21] =	ssyncadd.s32 $0xFFFFC000  }
0x22: {  	_ =	swait.ge [sflag:s21], $0x4000  }
0x23: {  	[sflag:s21] =	ssyncset.done $0x0  }
0x24: {  	s30 =	simm.s32 $0x200;
	[sflag:s21] =	ssyncadd.s32 $0xFFFFC000  }
0x25: {  	[tilespmem:s23], [sflag:$0x3] =	stream.indirect.gather [hbm4b:s2+s14], $0x80, s30, s14, $0xb8;
	[tilespmem:$0x19900] =	vst v63  }
0x26: {  	s31 =	simm.s32 $0x280  }
0x27: {  	[tilespmem:s25], [sflag:$0x3] =	stream.indirect.gather [hbm4b:s2+s14], $0x80, s31, s14, $0xb8;
	[tilespmem:$0x19900] =	vst v63  }
0x28: {  	_ = 	snop  }
0x29: {  	[hbm4b:s5+s3] =	stream.linear.scatter [tilespmem:s15], [sflag:$0x4], $0x8000, $0x38;
	[tilespmem:$0x19900] =	vst v63  }
0x2a: {  	_ =	swait.ge [sflag:s26], $0x4000  }
0x2b: {  	[sflag:s26] =	ssyncset.done $0x0  }
0x2c: {  	[sflag:s26] =	ssyncadd.s32 $0xFFFFC000  }
0x2d: {  	_ =	swait.ge [sflag:s26], $0x4000  }
0x2e: {  	[sflag:s26] =	ssyncset.done $0x0  }
0x2f: {  	[sflag:s26] =	ssyncadd.s32 $0xFFFFC000  }
0x30: {  	_ =	swait.ge [sflag:s28], $0x8000  }
0x31: {  	[sflag:s28] =	ssyncset.done $0x0  }
0x32: {  	s12 =	simm.s32 $0x300;
	[sflag:s28] =	ssyncadd.s32 $0xFFFF8000  }
0x33: {  	[tilespmem:s15], [sflag:$0x1] =	stream.indirect.gather [hbm4b:s2+s14], $0x80, s12, s14, $0xb8;
	[tilespmem:$0x19900] =	vst v63  }
0x34: {  	s17 =	simm.s32 $0x380  }
0x35: {  	[tilespmem:s16], [sflag:$0x1] =	stream.indirect.gather [hbm4b:s2+s14], $0x80, s17, s14, $0xb8;
	[tilespmem:$0x19900] =	vst v63  }
0x36: {  	_ = 	snop  }
0x37: {  	[hbm4b:s11+s3] =	stream.linear.scatter [tilespmem:s18], [sflag:$0x4], $0x8000, $0x38;
	[tilespmem:$0x19900] =	vst v63  }
0x38: {  	_ =	swait.ge [sflag:s29], $0x4000  }
0x39: {  	[sflag:s29] =	ssyncset.done $0x0  }
0x3a: {  	[sflag:s29] =	ssyncadd.s32 $0xFFFFC000  }
0x3b: {  	_ =	swait.ge [sflag:s29], $0x4000  }
0x3c: {  	[sflag:s29] =	ssyncset.done $0x0  }
0x3d: {  	[sflag:s29] =	ssyncadd.s32 $0xFFFFC000  }
0x3e: {  	_ =	swait.ge [sflag:s28], $0x8000  }
0x3f: {  	[sflag:s28] =	ssyncset.done $0x0  }
0x40: {  	s19 =	simm.s32 $0x400;
	[sflag:s28] =	ssyncadd.s32 $0xFFFF8000  }
0x41: {  	[tilespmem:s18], [sflag:$0x2] =	stream.indirect.gather [hbm4b:s2+s14], $0x80, s19, s14, $0xb8;
	[tilespmem:$0x19900] =	vst v63  }
0x42: {  	s22 =	simm.s32 $0x480  }
0x43: {  	[tilespmem:s20], [sflag:$0x2] =	stream.indirect.gather [hbm4b:s2+s14], $0x80, s22, s14, $0xb8;
	[tilespmem:$0x19900] =	vst v63  }
0x44: {  	_ = 	snop  }
0x45: {  	[hbm4b:s10+s3] =	stream.linear.scatter [tilespmem:s23], [sflag:$0x4], $0x8000, $0x38;
	[tilespmem:$0x19900] =	vst v63  }
0x46: {  	_ =	swait.ge [sflag:s21], $0x4000  }
0x47: {  	[sflag:s21] =	ssyncset.done $0x0  }
0x48: {  	[sflag:s21] =	ssyncadd.s32 $0xFFFFC000  }
0x49: {  	_ =	swait.ge [sflag:s21], $0x4000  }
0x4a: {  	[sflag:s21] =	ssyncset.done $0x0  }
0x4b: {  	[sflag:s21] =	ssyncadd.s32 $0xFFFFC000  }
0x4c: {  	_ =	swait.ge [sflag:s28], $0x8000  }
0x4d: {  	s0 =	simm.s32 $0xC00;
	s30 =	simm.s32 $0x500;
	[sflag:s28] =	ssyncset.done $0x0  }
0x4e: {  	s31 =	simm.s32 $0x580;
	s12 =	smov.u32 s24;
	[sflag:s28] =	ssyncadd.s32 $0xFFFF8000  }
0x4f: {  	[tilespmem:s23], [sflag:$0x3] =	stream.indirect.gather [hbm4b:s2+s14], $0x80, s30, s14, $0xb8;
	[tilespmem:$0x19900] =	vst v63  }
0x50: {  	s17 =	sadd.s32 $0x3000, s10;
	s19 =	sadd.s32 $0x3000, s11;
	s22 =	sadd.s32 $0x3000, s24  }
0x51: {  	[tilespmem:s25], [sflag:$0x3] =	stream.indirect.gather [hbm4b:s2+s14], $0x80, s31, s14, $0xb8;
	[tilespmem:$0x19900] =	vst v63  }
.LBB2_2:
0x52: {  	[hbm4b:s12+s3] =	stream.linear.scatter [tilespmem:s15], [sflag:$0x4], $0x8000, $0x38;
	[tilespmem:$0x19900] =	vst v63  }
0x53: {  	s30 =	smov.u32 s0;
	s12 =	smov.u32 s22  }
0x54: {  	p0 =	sne.s32 s0, $0x4800;
	s0 =	sadd.s32 $0xC00, s0;
	_ =	swait.ge [sflag:s26], $0x4000  }
0x55: {  	[sflag:s26] =	ssyncset.done $0x0  }
0x56: {  	[sflag:s26] =	ssyncadd.s32 $0xFFFFC000  }
0x57: {  	_ =	swait.ge [sflag:s26], $0x4000  }
0x58: {  	[sflag:s26] =	ssyncset.done $0x0  }
0x59: {  	[sflag:s26] =	ssyncadd.s32 $0xFFFFC000  }
0x5a: {  	_ =	swait.ge [sflag:s28], $0x8000  }
0x5b: {  	s30 =	sshra.s32 s30, $0x2;
	[sflag:s28] =	ssyncset.done $0x0  }
0x5c: {  	s31 =	sadd.s32 $0x300, s30;
	[sflag:s28] =	ssyncadd.s32 $0xFFFF8000  }
0x5d: {  	[tilespmem:s15], [sflag:$0x1] =	stream.indirect.gather [hbm4b:s2+s14], $0x80, s31, s14, $0xb8;
	[tilespmem:$0x19900] =	vst v63  }
0x5e: {  	s31 =	sadd.s32 $0x380, s30  }
0x5f: {  	[tilespmem:s16], [sflag:$0x1] =	stream.indirect.gather [hbm4b:s2+s14], $0x80, s31, s14, $0xb8;
	[tilespmem:$0x19900] =	vst v63  }
0x60: {  	_ = 	snop  }
0x61: {  	[hbm4b:s19+s3] =	stream.linear.scatter [tilespmem:s18], [sflag:$0x4], $0x8000, $0x38;
	[tilespmem:$0x19900] =	vst v63  }
0x62: {  	_ =	swait.ge [sflag:s29], $0x4000  }
0x63: {  	[sflag:s29] =	ssyncset.done $0x0  }
0x64: {  	[sflag:s29] =	ssyncadd.s32 $0xFFFFC000  }
0x65: {  	_ =	swait.ge [sflag:s29], $0x4000  }
0x66: {  	[sflag:s29] =	ssyncset.done $0x0  }
0x67: {  	[sflag:s29] =	ssyncadd.s32 $0xFFFFC000  }
0x68: {  	_ =	swait.ge [sflag:s28], $0x8000  }
0x69: {  	[sflag:s28] =	ssyncset.done $0x0  }
0x6a: {  	s31 =	sadd.s32 $0x400, s30;
	[sflag:s28] =	ssyncadd.s32 $0xFFFF8000  }
0x6b: {  	[tilespmem:s18], [sflag:$0x2] =	stream.indirect.gather [hbm4b:s2+s14], $0x80, s31, s14, $0xb8;
	[tilespmem:$0x19900] =	vst v63  }
0x6c: {  	s31 =	sadd.s32 $0x480, s30  }
0x6d: {  	[tilespmem:s20], [sflag:$0x2] =	stream.indirect.gather [hbm4b:s2+s14], $0x80, s31, s14, $0xb8;
	[tilespmem:$0x19900] =	vst v63  }
0x6e: {  	_ = 	snop  }
0x6f: {  	[hbm4b:s17+s3] =	stream.linear.scatter [tilespmem:s23], [sflag:$0x4], $0x8000, $0x38;
	[tilespmem:$0x19900] =	vst v63  }
0x70: {  	_ =	swait.ge [sflag:s21], $0x4000  }
0x71: {  	[sflag:s21] =	ssyncset.done $0x0  }
0x72: {  	[sflag:s21] =	ssyncadd.s32 $0xFFFFC000  }
0x73: {  	_ =	swait.ge [sflag:s21], $0x4000  }
0x74: {  	[sflag:s21] =	ssyncset.done $0x0  }
0x75: {  	[sflag:s21] =	ssyncadd.s32 $0xFFFFC000  }
0x76: {  	_ =	swait.ge [sflag:s28], $0x8000  }
0x77: {  	[sflag:s28] =	ssyncset.done $0x0  }
.Ltmp0:
0x78: {  	s31 =	sadd.s32 $0x500, s30;
	[sflag:s28] =	ssyncadd.s32 $0xFFFF8000;
	(pc) =	sbr.rel @p0 .LBB2_2-.Ltmp0, $4  }
0x79: {  	[tilespmem:s23], [sflag:$0x3] =	stream.indirect.gather [hbm4b:s2+s14], $0x80, s31, s14, $0xb8;
	[tilespmem:$0x19900] =	vst v63  }
0x7a: {  	s30 =	sadd.s32 $0x580, s30  }
0x7b: {  	[tilespmem:s25], [sflag:$0x3] =	stream.indirect.gather [hbm4b:s2+s14], $0x80, s30, s14, $0xb8;
	[tilespmem:$0x19900] =	vst v63  }
0x7c: {  	s22 =	sadd.s32 $0x3000, s22;
	s19 =	sadd.s32 $0x3000, s19;
	s17 =	sadd.s32 $0x3000, s17  }
0x7d: {  	[hbm4b:s12+s3] =	stream.linear.scatter [tilespmem:s15], [sflag:$0x4], $0x8000, $0x38;
	[tilespmem:$0x19900] =	vst v63  }
0x7e: {  	_ =	swait.ge [sflag:s26], $0x4000  }
0x7f: {  	[sflag:s26] =	ssyncset.done $0x0  }
0x80: {  	[sflag:s26] =	ssyncadd.s32 $0xFFFFC000  }
0x81: {  	_ =	swait.ge [sflag:s26], $0x4000  }
0x82: {  	[sflag:s26] =	ssyncset.done $0x0  }
0x83: {  	[sflag:s26] =	ssyncadd.s32 $0xFFFFC000  }
0x84: {  	_ =	swait.ge [sflag:s28], $0x8000  }
0x85: {  	[sflag:s28] =	ssyncset.done $0x0  }
0x86: {  	s0 =	simm.s32 $0x1800;
	[sflag:s28] =	ssyncadd.s32 $0xFFFF8000  }
0x87: {  	[tilespmem:s15], [sflag:$0x1] =	stream.indirect.gather [hbm4b:s2+s14], $0x80, s0, s14, $0xb8;
	[tilespmem:$0x19900] =	vst v63  }
0x88: {  	s31 =	simm.s32 $0x1880  }
0x89: {  	[tilespmem:s16], [sflag:$0x1] =	stream.indirect.gather [hbm4b:s2+s14], $0x80, s31, s14, $0xb8;
	[tilespmem:$0x19900] =	vst v63  }
0x8a: {  	_ = 	snop  }
0x8b: {  	[hbm4b:s6+s3] =	stream.linear.scatter [tilespmem:s18], [sflag:$0x4], $0x8000, $0x38;
	[tilespmem:$0x19900] =	vst v63  }
0x8c: {  	_ =	swait.ge [sflag:s29], $0x4000  }
0x8d: {  	[sflag:s29] =	ssyncset.done $0x0  }
0x8e: {  	[sflag:s29] =	ssyncadd.s32 $0xFFFFC000  }
0x8f: {  	_ =	swait.ge [sflag:s29], $0x4000  }
0x90: {  	[sflag:s29] =	ssyncset.done $0x0  }
0x91: {  	[sflag:s29] =	ssyncadd.s32 $0xFFFFC000  }
0x92: {  	_ =	swait.ge [sflag:s28], $0x8000  }
0x93: {  	[sflag:s28] =	ssyncset.done $0x0  }
0x94: {  	[sflag:s28] =	ssyncadd.s32 $0xFFFF8000  }
0x95: {  	[hbm4b:s7+s3] =	stream.linear.scatter [tilespmem:s23], [sflag:$0x4], $0x8000, $0x38;
	[tilespmem:$0x19900] =	vst v63  }
0x96: {  	_ =	swait.ge [sflag:s21], $0x4000  }
0x97: {  	[sflag:s21] =	ssyncset.done $0x0  }
0x98: {  	[sflag:s21] =	ssyncadd.s32 $0xFFFFC000  }
0x99: {  	_ =	swait.ge [sflag:s21], $0x4000  }
0x9a: {  	[sflag:s21] =	ssyncset.done $0x0  }
0x9b: {  	[sflag:s21] =	ssyncadd.s32 $0xFFFFC000  }
0x9c: {  	s1 =	sadd.s32 $0x1, s1;
	_ =	swait.ge [sflag:s28], $0x8000  }
0x9d: {  	p0 =	sne.s32 s1, s9;
	[sflag:s28] =	ssyncset.done $0x0  }
.Ltmp1:
0x9e: {  	[sflag:s28] =	ssyncadd.s32 $0xFFFF8000;
	(pc) =	sbr.rel @p0 .LBB2_1-.Ltmp1, $4  }
0x9f: {  	[hbm4b:s8+s3] =	stream.linear.scatter [tilespmem:s15], [sflag:$0x4], $0x8000, $0x38;
	[tilespmem:$0x19900] =	vst v63  }
0xa0: {  	_ =	swait.ge [sflag:s28], $0x8000  }
0xa1: {  	[sflag:s28] =	ssyncset.done $0x0  }
0xa2: {  	[sflag:s28] =	ssyncadd.s32 $0xFFFF8000  }
0xa3: {  	_ =	sfence.sel $0x180000  }
0xa4: {  	[bflag:$0x0] =	sbarrier.arrive $0xFFFF  }
0xa5: {  	_ =	strace $0x90000047  }
0xa6: {  	s0 =	stileid.u32;
	[bflag:$0x2] =	sbarrier.arrive $0xFFFF  }
0xa7: {  	p0 =	sne.s32 s0, $0x0;
	s0 =	rddreg [dreg:$0x3]  }
0xa8: {  	s0 =	sadd.s32 @!p0 $0x100000, s0  }
0xa9: {  	[sflag:s0] =	ssyncadd.tile.s32 @!p0 $0x1;
	_ =	shalt  }
.Lfunc_end2:
_tile_overlayer_lowered:
.L_overlay_start_2:
0xaa: {  	(tag) =	ssettag $0x2  }
0xab: {  	s0 =	rddreg [dreg:$0x0];
	s2 =	stileid.u32  }
0xac: {  	s1 =	rddreg [dreg:$0x1];
	p0 =	sne.s32 s2, $0x0  }
0xad: {  	s3 =	rddreg [dreg:$0x2];
	[bflag:$0x3] =	sbarrier.arrive $0xFFFF;
	s2 =	simm.s32 @!p0 $0x1C05  }
0xae: {  	[timem:s3], [sflag:s2] =	dma.local @!p0 [hbm:s0], s1  }
0xaf: {  	s0 =	simm.s32 @!p0 $0x5  }
0xb0: {  	_ =	swait.ge @!p0 [sflag:s0], s1  }
0xb1: {  	s1 =	ssub.s32 @!p0 $0x0, s1;
	[sflag:s0] =	ssyncset.done @!p0 $0x0  }
0xb2: {  	[sflag:s0] =	ssyncadd.s32 @!p0 s1  }
0xb3: {  	[bflag:$0x3] =	sbarrier.arrive $0xFFFF  }
0xb4: {  	_ =	shalt  }

</sc_bundles>
